<compile_context>
chip_gen: v7x
topology: tpu7x:2x2x1
jax: 0.10.2.dev20260603
libtpu: 0.0.44.dev20260713+nightly
codegen_flags: <defaults>
</compile_context>

<pallas_src>
import jax
import jax.numpy as jnp
from jax import lax
from jax.experimental import pallas as pl
from jax.experimental.pallas import tpu as pltpu
from jax.experimental.pallas import tpu_sc as plsc

N = 50000
E = 1600000
NP = 50176
STRIPE = NP // 16
CB = 4
C = CB * 128
W = 32
NCHUNK = E // C
CHUNK_BASE = NCHUNK // W
CHUNK_REM = NCHUNK % W


def _prep_body(vm_ref, va_ref, vre_ref, vim_ref):
    vm = vm_ref[...]
    va = va_ref[...]
    vre_ref[...] = vm * jnp.cos(va)
    vim_ref[...] = vm * jnp.sin(va)


def _sc_body(ei2_h, ea2_h, vre_h, vim_h, zsm,
             o00, o01, o10, o11,
             vre, vim,
             eib_0, attrb_0,
             eib_1, attrb_1,
             srcb2_0, dstb2_0, csr_0, csi_0, cdr_0, cdi_0,
             srcb2_1, dstb2_1, csr_1, csi_1, cdr_1, cdi_1,
             reb, imb, acc_re, acc_im,
             vsem, isem0, isem1, ssem0, ssem1):
    cid = lax.axis_index("c")
    sid = lax.axis_index("s")
    w = cid * 16 + sid
    r0 = sid * STRIPE
    iota = lax.iota(jnp.int32, 16)
    chunk0 = w * CHUNK_BASE

    INB = [(eib_0, attrb_0), (eib_1, attrb_1)]
    STG = [(srcb2_0, dstb2_0, csr_0, csi_0, cdr_0, cdi_0),
           (srcb2_1, dstb2_1, csr_1, csi_1, cdr_1, cdi_1)]
    ISEM = [isem0, isem1]
    SSEM = [ssem0, ssem1]

    def in_descs(g, p):
        eb, ab = INB[p]
        return [
            pltpu.make_async_copy(ei2_h.at[pl.ds(g * 8, 8)], eb, ISEM[p]),
            pltpu.make_async_copy(ea2_h.at[pl.ds(g * 8, 8)], ab, ISEM[p]),
        ]

    def sc_descs(p):
        s2, d2, cr, ci, dr_, di_ = STG[p]
        return [
            pltpu.make_async_copy(cr, acc_re.at[s2], SSEM[p]),
            pltpu.make_async_copy(ci, acc_im.at[s2], SSEM[p]),
            pltpu.make_async_copy(dr_, acc_re.at[d2], SSEM[p]),
            pltpu.make_async_copy(di_, acc_im.at[d2], SSEM[p]),
        ]

    def compute(p):
        eb, ab = INB[p]
        s2, d2, cr, ci, dr_, di_ = STG[p]

        @plsc.parallel_loop(0, C // 16)
        def j_body(t):
            blk = 2 * (t // 8)
            loff = (t % 8) * 16
            s = eb[blk, pl.ds(loff, 16)]
            d = eb[blk + 1, pl.ds(loff, 16)]
            yre = ab[blk, pl.ds(loff, 16)]
            yim = ab[blk + 1, pl.ds(loff, 16)]
            vsr = plsc.load_gather(vre, [s])
            vsi = plsc.load_gather(vim, [s])
            vdr = plsc.load_gather(vre, [d])
            vdi = plsc.load_gather(vim, [d])
            dre = vsr - vdr
            dim = vsi - vdi
            cre = yre * dre - yim * dim
            cim = yre * dim + yim * dre
            off = t * 16
            s2[pl.ds(off, 16)] = s
            d2[pl.ds(off, 16)] = d
            cr[pl.ds(off, 16)] = cre
            ci[pl.ds(off, 16)] = cim
            dr_[pl.ds(off, 16)] = -cre
            di_[pl.ds(off, 16)] = -cim

    vdesc = [pltpu.make_async_copy(vre_h.at[0], vre, vsem),
             pltpu.make_async_copy(vim_h.at[0], vim, vsem)]
    for d in vdesc:
        d.start()
    for d in in_descs(chunk0, 0):
        d.start()
    for d in in_descs(chunk0 + 1, 1):
        d.start()
    pltpu.sync_copy(zsm, reb)
    pltpu.sync_copy(reb, acc_re.at[pl.ds(r0, STRIPE)])
    pltpu.sync_copy(reb, acc_im.at[pl.ds(r0, STRIPE)])
    for d in vdesc:
        d.wait()
    plsc.subcore_barrier()

    def phase(L, p):
        for d in in_descs(chunk0 + L, p):
            d.wait()

        @pl.when(L >= 2)
        def _():
            for d in sc_descs(p):
                d.wait()

        compute(p)
        for d in sc_descs(p):
            d.start(add=True)

        @pl.when(L + 2 < CHUNK_BASE)
        def _():
            for d in in_descs(chunk0 + L + 2, p):
                d.start()

    def body2(k2, carry):
        phase(2 * k2, 0)
        phase(2 * k2 + 1, 1)
        return carry

    lax.fori_loop(0, CHUNK_BASE // 2, body2, 0)
    if CHUNK_BASE % 2:
        phase(jnp.int32(CHUNK_BASE - 1), 0)
    for d in sc_descs(0):
        d.wait()
    for d in sc_descs(1):
        d.wait()

    @pl.when(w < CHUNK_REM)
    def _():
        g = W * CHUNK_BASE + w
        for d in in_descs(g, 0):
            d.start()
        for d in in_descs(g, 0):
            d.wait()
        compute(0)
        for d in sc_descs(0):
            d.start(add=True)
        for d in sc_descs(0):
            d.wait()

    plsc.subcore_barrier()

    pltpu.sync_copy(acc_re.at[pl.ds(r0, STRIPE)], reb)
    pltpu.sync_copy(acc_im.at[pl.ds(r0, STRIPE)], imb)

    @pl.when(cid == 0)
    def _():
        pltpu.sync_copy(reb, o00.at[pl.ds(r0, STRIPE)])
        pltpu.sync_copy(imb, o01.at[pl.ds(r0, STRIPE)])

    @pl.when(cid == 1)
    def _():
        pltpu.sync_copy(reb, o10.at[pl.ds(r0, STRIPE)])
        pltpu.sync_copy(imb, o11.at[pl.ds(r0, STRIPE)])


def _final_body(o00_ref, o01_ref, o10_ref, o11_ref, vre_ref, vim_ref,
                tre_ref, tim_ref, m_ref, out_ref):
    ire = o00_ref[...] + o10_ref[...]
    iim = o01_ref[...] + o11_ref[...]
    vre = vre_ref[...]
    vim = vim_ref[...]
    sre = vre * ire + vim * iim
    sim = vim * ire - vre * iim
    rre = sre - tre_ref[...]
    rim = sim - tim_ref[...]
    m = m_ref[...]
    rre = jnp.where(m, rre, 0.0)
    rim = jnp.where(m, rim, 0.0)
    a = jnp.sqrt(rre * rre + rim * rim)
    l0 = jnp.sum(a)
    l1 = jnp.sum(jnp.abs(rre))
    l2 = jnp.sum(jnp.abs(rim))
    lane = lax.broadcasted_iota(jnp.int32, (1, 128), 1)
    row = jnp.where(lane == 0, l0, jnp.where(lane == 1, l1,
                    jnp.where(lane == 2, l2, 0.0)))
    out_ref[...] = row * (1.0 / N)


_sc_call = pl.kernel(
    _sc_body,
    out_type=[jax.ShapeDtypeStruct((NP,), jnp.float32) for _ in range(4)],
    mesh=plsc.VectorSubcoreMesh(core_axis_name="c", subcore_axis_name="s",
                                num_cores=2, num_subcores=16),
    compiler_params=pltpu.CompilerParams(needs_layout_passes=False),
    scratch_types=[
        pltpu.VMEM((NP,), jnp.float32),
        pltpu.VMEM((NP,), jnp.float32),
        pltpu.VMEM((8, 128), jnp.int32),
        pltpu.VMEM((8, 128), jnp.float32),
        pltpu.VMEM((8, 128), jnp.int32),
        pltpu.VMEM((8, 128), jnp.float32),
        pltpu.VMEM((C,), jnp.int32),
        pltpu.VMEM((C,), jnp.int32),
        pltpu.VMEM((C,), jnp.float32),
        pltpu.VMEM((C,), jnp.float32),
        pltpu.VMEM((C,), jnp.float32),
        pltpu.VMEM((C,), jnp.float32),
        pltpu.VMEM((C,), jnp.int32),
        pltpu.VMEM((C,), jnp.int32),
        pltpu.VMEM((C,), jnp.float32),
        pltpu.VMEM((C,), jnp.float32),
        pltpu.VMEM((C,), jnp.float32),
        pltpu.VMEM((C,), jnp.float32),
        pltpu.VMEM((STRIPE,), jnp.float32),
        pltpu.VMEM((STRIPE,), jnp.float32),
        pltpu.VMEM_SHARED((NP,), jnp.float32),
        pltpu.VMEM_SHARED((NP,), jnp.float32),
        pltpu.SemaphoreType.DMA,
        pltpu.SemaphoreType.DMA,
        pltpu.SemaphoreType.DMA,
        pltpu.SemaphoreType.DMA,
        pltpu.SemaphoreType.DMA,
    ],
)


def kernel(pred, target, edge_index, edge_attr, mask):
    pad = (0, NP - N)
    vm = jnp.pad(pred[:, 0], pad).reshape(1, NP)
    va = jnp.pad(pred[:, 1], pad).reshape(1, NP)
    tre = jnp.pad(target[:, 0], pad).reshape(1, NP)
    tim = jnp.pad(target[:, 1], pad).reshape(1, NP)
    mp = jnp.pad(mask, pad).reshape(1, NP)
    ei2 = (edge_index.reshape(2, E // 128, 128)
           .transpose(1, 0, 2).reshape(E // 64, 128))
    ea2 = (edge_attr.reshape(E // 128, 128, 2)
           .transpose(0, 2, 1).reshape(E // 64, 128))
    zsm = jnp.zeros((STRIPE,), jnp.float32)

    vre_h, vim_h = pl.pallas_call(
        _prep_body,
        out_shape=[jax.ShapeDtypeStruct((1, NP), jnp.float32)] * 2,
    )(vm, va)

    o00, o01, o10, o11 = _sc_call(ei2, ea2, vre_h, vim_h, zsm)

    out = pl.pallas_call(
        _final_body,
        out_shape=jax.ShapeDtypeStruct((1, 128), jnp.float32),
    )(o00.reshape(1, NP), o01.reshape(1, NP), o10.reshape(1, NP),
      o11.reshape(1, NP), vre_h, vim_h, tre, tim, mp)
    return out[0, :3]

# --- scband reference (transcript-rebuilt; emitter-appended) ---
"""Pipeline reference for scband-pbeloss-171798691912 (READ-ONLY COPY).

The authoritative reference and input builder live on the scoring server;
editing this copy changes nothing except your own understanding.
"""

import jax, jax.numpy as jnp
import numpy as np

N = 50000
E = 1600000

def setup_inputs(seed: int = 0) -> dict:
    key = jax.random.key(seed)
    k1, k2, k3, k4 = jax.random.split(key, 4)
    pred = jax.random.uniform(k1, (N, 2), dtype=jnp.float32)
    target = jax.random.normal(k2, (N, 2), dtype=jnp.float32)
    edge_index = jax.random.randint(k3, (2, E), 0, N, dtype=jnp.int32)
    edge_attr = jax.random.normal(k4, (E, 2), dtype=jnp.float32)
    mask = jnp.ones((N,), dtype=bool)
    return {"pred": pred, "target": target, "edge_index": edge_index, "edge_attr": edge_attr, "mask": mask}

def _power_flow_residual(pred, target, edge_index, edge_attr, mask):
    # PowerFlowResidualLayerHomo: complex nodal power-balance residual.
    vm = pred[:, 0]
    va = pred[:, 1]
    V = vm.astype(jnp.complex64) * jnp.exp(1j * va.astype(jnp.complex64))  # complex nodal voltage
    src = edge_index[0]
    dst = edge_index[1]
    y = edge_attr[:, 0].astype(jnp.complex64) + 1j * edge_attr[:, 1].astype(jnp.complex64)  # branch admittance
    V_src = jnp.take(V, src, axis=0)
    V_dst = jnp.take(V, dst, axis=0)
    # branch current contributions, scatter-added onto nodes (symmetric, undirected line model)
    I = jnp.zeros((V.shape[0],), dtype=jnp.complex64)
    I = I.at[src].add(y * (V_src - V_dst))
    I = I.at[dst].add(y * (V_dst - V_src))
    S_calc = V * jnp.conj(I)  # complex power injection from network equations
    S_spec = target[:, 0].astype(jnp.complex64) + 1j * target[:, 1].astype(jnp.complex64)
    residual = S_calc - S_spec
    residual = jnp.where(mask, residual, jnp.zeros((), dtype=jnp.complex64))
    return residual

def reference(pred, target, edge_index, edge_attr, mask):
    residual_complex = _power_flow_residual(pred, target, edge_index, edge_attr, mask)
    loss = jnp.mean(jnp.abs(residual_complex))
    real_loss = jnp.mean(jnp.abs(jnp.real(residual_complex)))
    imag_loss = jnp.mean(jnp.abs(jnp.imag(residual_complex)))
    return jnp.stack([loss, real_loss, imag_loss])

if __name__ == "__main__":
    import jax
    _d = setup_inputs()
    print(jax.jit(kernel)(*tuple(_d.values())))

</pallas_src>

<mosaic_0001>
#map = affine_map<(d0, d1) -> (0, 0)>
#map1 = affine_map<(d0, d1) -> (0)>
module attributes {stable_mosaic.version = 14 : i64} {
  func.func @_sc_body(%arg0: i32, %arg1: i32, %arg2: memref<25000x128xi32, #tpu.memory_space<hbm>>, %arg3: memref<25000x128xf32, #tpu.memory_space<hbm>>, %arg4: memref<1x50176xf32, #tpu.memory_space<hbm>>, %arg5: memref<1x50176xf32, #tpu.memory_space<hbm>>, %arg6: memref<3136xf32, #tpu.memory_space<hbm>>, %arg7: memref<50176xf32, #tpu.memory_space<hbm>>, %arg8: memref<50176xf32, #tpu.memory_space<hbm>>, %arg9: memref<50176xf32, #tpu.memory_space<hbm>>, %arg10: memref<50176xf32, #tpu.memory_space<hbm>>, %arg11: memref<50176xf32, #tpu.memory_space<vmem>>, %arg12: memref<50176xf32, #tpu.memory_space<vmem>>, %arg13: memref<8x128xi32, #tpu.memory_space<vmem>>, %arg14: memref<8x128xf32, #tpu.memory_space<vmem>>, %arg15: memref<8x128xi32, #tpu.memory_space<vmem>>, %arg16: memref<8x128xf32, #tpu.memory_space<vmem>>, %arg17: memref<512xi32, #tpu.memory_space<vmem>>, %arg18: memref<512xi32, #tpu.memory_space<vmem>>, %arg19: memref<512xf32, #tpu.memory_space<vmem>>, %arg20: memref<512xf32, #tpu.memory_space<vmem>>, %arg21: memref<512xf32, #tpu.memory_space<vmem>>, %arg22: memref<512xf32, #tpu.memory_space<vmem>>, %arg23: memref<512xi32, #tpu.memory_space<vmem>>, %arg24: memref<512xi32, #tpu.memory_space<vmem>>, %arg25: memref<512xf32, #tpu.memory_space<vmem>>, %arg26: memref<512xf32, #tpu.memory_space<vmem>>, %arg27: memref<512xf32, #tpu.memory_space<vmem>>, %arg28: memref<512xf32, #tpu.memory_space<vmem>>, %arg29: memref<3136xf32, #tpu.memory_space<vmem>>, %arg30: memref<3136xf32, #tpu.memory_space<vmem>>, %arg31: memref<50176xf32, #tpu.memory_space<vmem_shared>>, %arg32: memref<50176xf32, #tpu.memory_space<vmem_shared>>, %arg33: memref<!tpu.dma_semaphore, #tpu.memory_space<semaphore_mem>>, %arg34: memref<!tpu.dma_semaphore, #tpu.memory_space<semaphore_mem>>, %arg35: memref<!tpu.dma_semaphore, #tpu.memory_space<semaphore_mem>>, %arg36: memref<!tpu.dma_semaphore, #tpu.memory_space<semaphore_mem>>, %arg37: memref<!tpu.dma_semaphore, #tpu.memory_space<semaphore_mem>>) attributes {dimension_semantics = [#tpu.dimension_semantics<core_parallel>, #tpu.dimension_semantics<subcore_parallel>], iteration_bounds = array<i64: 2, 16>, scalar_prefetch = 0 : i64, scratch_operands = 27 : i64, tpu.core_type = #tpu.core_type<sc_vector_subcore>, window_params = [{transform_indices = #map}, {transform_indices = #map}, {transform_indices = #map}, {transform_indices = #map}, {transform_indices = #map1}, {transform_indices = #map1}, {transform_indices = #map1}, {transform_indices = #map1}, {transform_indices = #map1}]} {
    %mul3A = arith.constant 16 : i32
    %mul3A_0 = arith.muli %arg0, %mul3A : i32
    %add3A = arith.addi %mul3A_0, %arg1 : i32
    %mul3A_1 = arith.constant 3136 : i32
    %mul3A_2 = arith.muli %arg1, %mul3A_1 : i32
    %iota3A = tpu.iota {dimensions = array<i32: 0>} : vector<16xi32>
    %mul3A_3 = arith.constant 97 : i32
    %mul3A_4 = arith.muli %add3A, %mul3A_3 : i32
    %dma_start3A = arith.constant 0 : i32
    %dma_start3A_5 = arith.constant 0 : i32
    %dma_start3A_6 = tpu.memref_slice %arg4[%dma_start3A, %dma_start3A_5] : memref<1x50176xf32, #tpu.memory_space<hbm>> -> memref<1x50176xf32, #tpu.memory_space<hbm>>
    %dma_start3A_7 = tpu.memref_squeeze %dma_start3A_6 : memref<1x50176xf32, #tpu.memory_space<hbm>> -> memref<50176xf32, #tpu.memory_space<hbm>>
    %dma_start3A_8 = arith.constant 0 : i32
    %dma_start3A_9 = tpu.memref_slice %arg4[%dma_start3A, %dma_start3A_8] : memref<1x50176xf32, #tpu.memory_space<hbm>> -> memref<1x50176xf32, #tpu.memory_space<hbm>>
    %dma_start3A_10 = tpu.memref_squeeze %dma_start3A_9 : memref<1x50176xf32, #tpu.memory_space<hbm>> -> memref<50176xf32, #tpu.memory_space<hbm>>
    tpu.enqueue_dma source(%dma_start3A_10 : memref<50176xf32, #tpu.memory_space<hbm>>) target(%arg11 : memref<50176xf32, #tpu.memory_space<vmem>>) target_semaphore(%arg33 : memref<!tpu.dma_semaphore, #tpu.memory_space<semaphore_mem>>)
    %dma_start3A_11 = arith.constant 0 : i32
    %dma_start3A_12 = arith.constant 0 : i32
    %dma_start3A_13 = tpu.memref_slice %arg5[%dma_start3A_11, %dma_start3A_12] : memref<1x50176xf32, #tpu.memory_space<hbm>> -> memref<1x50176xf32, #tpu.memory_space<hbm>>
    %dma_start3A_14 = tpu.memref_squeeze %dma_start3A_13 : memref<1x50176xf32, #tpu.memory_space<hbm>> -> memref<50176xf32, #tpu.memory_space<hbm>>
    %dma_start3A_15 = arith.constant 0 : i32
    %dma_start3A_16 = tpu.memref_slice %arg5[%dma_start3A_11, %dma_start3A_15] : memref<1x50176xf32, #tpu.memory_space<hbm>> -> memref<1x50176xf32, #tpu.memory_space<hbm>>
    %dma_start3A_17 = tpu.memref_squeeze %dma_start3A_16 : memref<1x50176xf32, #tpu.memory_space<hbm>> -> memref<50176xf32, #tpu.memory_space<hbm>>
    tpu.enqueue_dma source(%dma_start3A_17 : memref<50176xf32, #tpu.memory_space<hbm>>) target(%arg12 : memref<50176xf32, #tpu.memory_space<vmem>>) target_semaphore(%arg33 : memref<!tpu.dma_semaphore, #tpu.memory_space<semaphore_mem>>)
    %mul3A_18 = arith.constant 8 : i32
    %mul3A_19 = arith.muli %mul3A_4, %mul3A_18 : i32
    %mul3A_20 = arith.constant 8 : i32
    %mul3A_21 = arith.muli %mul3A_4, %mul3A_20 : i32
    %dma_start3A_22 = arith.constant 0 : i32
    %dma_start3A_23 = tpu.memref_slice %arg2[%mul3A_19, %dma_start3A_22] : memref<25000x128xi32, #tpu.memory_space<hbm>> -> memref<8x128xi32, #tpu.memory_space<hbm>>
    %dma_start3A_24 = arith.constant 0 : i32
    %dma_start3A_25 = tpu.memref_slice %arg2[%mul3A_19, %dma_start3A_24] : memref<25000x128xi32, #tpu.memory_space<hbm>> -> memref<8x128xi32, #tpu.memory_space<hbm>>
    tpu.enqueue_dma source(%dma_start3A_25 : memref<8x128xi32, #tpu.memory_space<hbm>>) target(%arg13 : memref<8x128xi32, #tpu.memory_space<vmem>>) target_semaphore(%arg34 : memref<!tpu.dma_semaphore, #tpu.memory_space<semaphore_mem>>)
    %dma_start3A_26 = arith.constant 0 : i32
    %dma_start3A_27 = tpu.memref_slice %arg3[%mul3A_21, %dma_start3A_26] : memref<25000x128xf32, #tpu.memory_space<hbm>> -> memref<8x128xf32, #tpu.memory_space<hbm>>
    %dma_start3A_28 = arith.constant 0 : i32
    %dma_start3A_29 = tpu.memref_slice %arg3[%mul3A_21, %dma_start3A_28] : memref<25000x128xf32, #tpu.memory_space<hbm>> -> memref<8x128xf32, #tpu.memory_space<hbm>>
    tpu.enqueue_dma source(%dma_start3A_29 : memref<8x128xf32, #tpu.memory_space<hbm>>) target(%arg14 : memref<8x128xf32, #tpu.memory_space<vmem>>) target_semaphore(%arg34 : memref<!tpu.dma_semaphore, #tpu.memory_space<semaphore_mem>>)
    %add3A_30 = arith.constant 1 : i32
    %add3A_31 = arith.addi %mul3A_4, %add3A_30 : i32
    %mul3A_32 = arith.constant 8 : i32
    %mul3A_33 = arith.muli %add3A_31, %mul3A_32 : i32
    %mul3A_34 = arith.constant 8 : i32
    %mul3A_35 = arith.muli %add3A_31, %mul3A_34 : i32
    %dma_start3A_36 = arith.constant 0 : i32
    %dma_start3A_37 = tpu.memref_slice %arg2[%mul3A_33, %dma_start3A_36] : memref<25000x128xi32, #tpu.memory_space<hbm>> -> memref<8x128xi32, #tpu.memory_space<hbm>>
    %dma_start3A_38 = arith.constant 0 : i32
    %dma_start3A_39 = tpu.memref_slice %arg2[%mul3A_33, %dma_start3A_38] : memref<25000x128xi32, #tpu.memory_space<hbm>> -> memref<8x128xi32, #tpu.memory_space<hbm>>
    tpu.enqueue_dma source(%dma_start3A_39 : memref<8x128xi32, #tpu.memory_space<hbm>>) target(%arg15 : memref<8x128xi32, #tpu.memory_space<vmem>>) target_semaphore(%arg35 : memref<!tpu.dma_semaphore, #tpu.memory_space<semaphore_mem>>)
    %dma_start3A_40 = arith.constant 0 : i32
    %dma_start3A_41 = tpu.memref_slice %arg3[%mul3A_35, %dma_start3A_40] : memref<25000x128xf32, #tpu.memory_space<hbm>> -> memref<8x128xf32, #tpu.memory_space<hbm>>
    %dma_start3A_42 = arith.constant 0 : i32
    %dma_start3A_43 = tpu.memref_slice %arg3[%mul3A_35, %dma_start3A_42] : memref<25000x128xf32, #tpu.memory_space<hbm>> -> memref<8x128xf32, #tpu.memory_space<hbm>>
    tpu.enqueue_dma source(%dma_start3A_43 : memref<8x128xf32, #tpu.memory_space<hbm>>) target(%arg16 : memref<8x128xf32, #tpu.memory_space<vmem>>) target_semaphore(%arg35 : memref<!tpu.dma_semaphore, #tpu.memory_space<semaphore_mem>>)
    "tpu.region"() ({
      %run_scoped3A = tpu.sem_alloc : memref<!tpu.dma_semaphore, #tpu.memory_space<semaphore_mem>>
      tpu.enqueue_dma source(%arg6 : memref<3136xf32, #tpu.memory_space<hbm>>) target(%arg29 : memref<3136xf32, #tpu.memory_space<vmem>>) target_semaphore(%run_scoped3A : memref<!tpu.dma_semaphore, #tpu.memory_space<semaphore_mem>>)
      tpu.wait_dma2 semaphore(%run_scoped3A : memref<!tpu.dma_semaphore, #tpu.memory_space<semaphore_mem>>) src(%arg6 : memref<3136xf32, #tpu.memory_space<hbm>>) dst(%arg29 : memref<3136xf32, #tpu.memory_space<vmem>>)
      tpu.yield
    }) : () -> ()
    "tpu.region"() ({
      %run_scoped3A = tpu.sem_alloc : memref<!tpu.dma_semaphore, #tpu.memory_space<semaphore_mem>>
      %dma_start3A_128 = tpu.memref_slice %arg31[%mul3A_2] : memref<50176xf32, #tpu.memory_space<vmem_shared>> -> memref<3136xf32, #tpu.memory_space<vmem_shared>>
      %dma_start3A_129 = tpu.memref_slice %arg31[%mul3A_2] : memref<50176xf32, #tpu.memory_space<vmem_shared>> -> memref<3136xf32, #tpu.memory_space<vmem_shared>>
      tpu.enqueue_dma source(%arg29 : memref<3136xf32, #tpu.memory_space<vmem>>) target(%dma_start3A_129 : memref<3136xf32, #tpu.memory_space<vmem_shared>>) target_semaphore(%run_scoped3A : memref<!tpu.dma_semaphore, #tpu.memory_space<semaphore_mem>>)
      %dma_wait3A_130 = tpu.memref_slice %arg31[%mul3A_2] : memref<50176xf32, #tpu.memory_space<vmem_shared>> -> memref<3136xf32, #tpu.memory_space<vmem_shared>>
      %dma_wait3A_131 = tpu.memref_slice %arg31[%mul3A_2] : memref<50176xf32, #tpu.memory_space<vmem_shared>> -> memref<3136xf32, #tpu.memory_space<vmem_shared>>
      tpu.wait_dma2 semaphore(%run_scoped3A : memref<!tpu.dma_semaphore, #tpu.memory_space<semaphore_mem>>) src(%arg29 : memref<3136xf32, #tpu.memory_space<vmem>>) dst(%dma_wait3A_131 : memref<3136xf32, #tpu.memory_space<vmem_shared>>)
      tpu.yield
    }) : () -> ()
    "tpu.region"() ({
      %run_scoped3A = tpu.sem_alloc : memref<!tpu.dma_semaphore, #tpu.memory_space<semaphore_mem>>
      %dma_start3A_128 = tpu.memref_slice %arg32[%mul3A_2] : memref<50176xf32, #tpu.memory_space<vmem_shared>> -> memref<3136xf32, #tpu.memory_space<vmem_shared>>
      %dma_start3A_129 = tpu.memref_slice %arg32[%mul3A_2] : memref<50176xf32, #tpu.memory_space<vmem_shared>> -> memref<3136xf32, #tpu.memory_space<vmem_shared>>
      tpu.enqueue_dma source(%arg29 : memref<3136xf32, #tpu.memory_space<vmem>>) target(%dma_start3A_129 : memref<3136xf32, #tpu.memory_space<vmem_shared>>) target_semaphore(%run_scoped3A : memref<!tpu.dma_semaphore, #tpu.memory_space<semaphore_mem>>)
      %dma_wait3A_130 = tpu.memref_slice %arg32[%mul3A_2] : memref<50176xf32, #tpu.memory_space<vmem_shared>> -> memref<3136xf32, #tpu.memory_space<vmem_shared>>
      %dma_wait3A_131 = tpu.memref_slice %arg32[%mul3A_2] : memref<50176xf32, #tpu.memory_space<vmem_shared>> -> memref<3136xf32, #tpu.memory_space<vmem_shared>>
      tpu.wait_dma2 semaphore(%run_scoped3A : memref<!tpu.dma_semaphore, #tpu.memory_space<semaphore_mem>>) src(%arg29 : memref<3136xf32, #tpu.memory_space<vmem>>) dst(%dma_wait3A_131 : memref<3136xf32, #tpu.memory_space<vmem_shared>>)
      tpu.yield
    }) : () -> ()
    %dma_wait3A = arith.constant 0 : i32
    %dma_wait3A_44 = arith.constant 0 : i32
    %dma_wait3A_45 = tpu.memref_slice %arg4[%dma_wait3A, %dma_wait3A_44] : memref<1x50176xf32, #tpu.memory_space<hbm>> -> memref<1x50176xf32, #tpu.memory_space<hbm>>
    %dma_wait3A_46 = tpu.memref_squeeze %dma_wait3A_45 : memref<1x50176xf32, #tpu.memory_space<hbm>> -> memref<50176xf32, #tpu.memory_space<hbm>>
    %dma_wait3A_47 = arith.constant 0 : i32
    %dma_wait3A_48 = tpu.memref_slice %arg4[%dma_wait3A, %dma_wait3A_47] : memref<1x50176xf32, #tpu.memory_space<hbm>> -> memref<1x50176xf32, #tpu.memory_space<hbm>>
    %dma_wait3A_49 = tpu.memref_squeeze %dma_wait3A_48 : memref<1x50176xf32, #tpu.memory_space<hbm>> -> memref<50176xf32, #tpu.memory_space<hbm>>
    tpu.wait_dma2 semaphore(%arg33 : memref<!tpu.dma_semaphore, #tpu.memory_space<semaphore_mem>>) src(%dma_wait3A_49 : memref<50176xf32, #tpu.memory_space<hbm>>) dst(%arg11 : memref<50176xf32, #tpu.memory_space<vmem>>)
    %dma_wait3A_50 = arith.constant 0 : i32
    %dma_wait3A_51 = arith.constant 0 : i32
    %dma_wait3A_52 = tpu.memref_slice %arg5[%dma_wait3A_50, %dma_wait3A_51] : memref<1x50176xf32, #tpu.memory_space<hbm>> -> memref<1x50176xf32, #tpu.memory_space<hbm>>
    %dma_wait3A_53 = tpu.memref_squeeze %dma_wait3A_52 : memref<1x50176xf32, #tpu.memory_space<hbm>> -> memref<50176xf32, #tpu.memory_space<hbm>>
    %dma_wait3A_54 = arith.constant 0 : i32
    %dma_wait3A_55 = tpu.memref_slice %arg5[%dma_wait3A_50, %dma_wait3A_54] : memref<1x50176xf32, #tpu.memory_space<hbm>> -> memref<1x50176xf32, #tpu.memory_space<hbm>>
    %dma_wait3A_56 = tpu.memref_squeeze %dma_wait3A_55 : memref<1x50176xf32, #tpu.memory_space<hbm>> -> memref<50176xf32, #tpu.memory_space<hbm>>
    tpu.wait_dma2 semaphore(%arg33 : memref<!tpu.dma_semaphore, #tpu.memory_space<semaphore_mem>>) src(%dma_wait3A_56 : memref<50176xf32, #tpu.memory_space<hbm>>) dst(%arg12 : memref<50176xf32, #tpu.memory_space<vmem>>)
    %barrier3A = arith.constant 0 : index
    tpu.barrier barrier_id(%barrier3A)
    %scan3A = arith.constant 0 : i32
    %scan3A_57 = arith.constant 0 : i32
    %scan3A_58 = arith.constant 48 : i32
    %scan3A_59 = arith.addi %scan3A_57, %scan3A_58 : i32
    %scan3A_60 = arith.constant 1 : i32
    scf.for %scan3A_128 = %scan3A_57 to %scan3A_59 step %scan3A_60  : i32 {
      %mul3A_129 = arith.constant 2 : i32
      %mul3A_130 = arith.muli %mul3A_129, %scan3A_128 : i32
      %add3A_131 = arith.addi %mul3A_4, %mul3A_130 : i32
      %mul3A_132 = arith.constant 8 : i32
      %mul3A_133 = arith.muli %add3A_131, %mul3A_132 : i32
      %mul3A_134 = arith.constant 8 : i32
      %mul3A_135 = arith.muli %add3A_131, %mul3A_134 : i32
      %dma_wait3A_136 = arith.constant 0 : i32
      %dma_wait3A_137 = tpu.memref_slice %arg2[%mul3A_133, %dma_wait3A_136] : memref<25000x128xi32, #tpu.memory_space<hbm>> -> memref<8x128xi32, #tpu.memory_space<hbm>>
      %dma_wait3A_138 = arith.constant 0 : i32
      %dma_wait3A_139 = tpu.memref_slice %arg2[%mul3A_133, %dma_wait3A_138] : memref<25000x128xi32, #tpu.memory_space<hbm>> -> memref<8x128xi32, #tpu.memory_space<hbm>>
      tpu.wait_dma2 semaphore(%arg34 : memref<!tpu.dma_semaphore, #tpu.memory_space<semaphore_mem>>) src(%dma_wait3A_139 : memref<8x128xi32, #tpu.memory_space<hbm>>) dst(%arg13 : memref<8x128xi32, #tpu.memory_space<vmem>>)
      %dma_wait3A_140 = arith.constant 0 : i32
      %dma_wait3A_141 = tpu.memref_slice %arg3[%mul3A_135, %dma_wait3A_140] : memref<25000x128xf32, #tpu.memory_space<hbm>> -> memref<8x128xf32, #tpu.memory_space<hbm>>
      %dma_wait3A_142 = arith.constant 0 : i32
      %dma_wait3A_143 = tpu.memref_slice %arg3[%mul3A_135, %dma_wait3A_142] : memref<25000x128xf32, #tpu.memory_space<hbm>> -> memref<8x128xf32, #tpu.memory_space<hbm>>
      tpu.wait_dma2 semaphore(%arg34 : memref<!tpu.dma_semaphore, #tpu.memory_space<semaphore_mem>>) src(%dma_wait3A_143 : memref<8x128xf32, #tpu.memory_space<hbm>>) dst(%arg14 : memref<8x128xf32, #tpu.memory_space<vmem>>)
      %ge3A_144 = arith.constant 2 : i32
      %ge3A_145 = arith.cmpi sge, %mul3A_130, %ge3A_144 : i32
      %convert_element_type3A_146 = arith.extui %ge3A_145 : i1 to i32
      %cond3A_147 = arith.constant 0 : i32
      %cond3A_148 = arith.cmpi ne, %convert_element_type3A_146, %cond3A_147 : i32
      scf.if %cond3A_148 {
        %dma_wait3A_207 = arith.constant 0 : i32
        %dma_wait3A_208 = tpu.memref_slice %arg31[%dma_wait3A_207] : memref<50176xf32, #tpu.memory_space<vmem_shared>> -> memref<50176xf32, #tpu.memory_space<vmem_shared>>
        tpu.wait_indirect_dma semaphore(%arg36 : memref<!tpu.dma_semaphore, #tpu.memory_space<semaphore_mem>>) src(%arg19 : memref<512xf32, #tpu.memory_space<vmem>>) dst(%dma_wait3A_208 : memref<50176xf32, #tpu.memory_space<vmem_shared>>)
        %dma_wait3A_209 = arith.constant 0 : i32
        %dma_wait3A_210 = tpu.memref_slice %arg32[%dma_wait3A_209] : memref<50176xf32, #tpu.memory_space<vmem_shared>> -> memref<50176xf32, #tpu.memory_space<vmem_shared>>
        tpu.wait_indirect_dma semaphore(%arg36 : memref<!tpu.dma_semaphore, #tpu.memory_space<semaphore_mem>>) src(%arg20 : memref<512xf32, #tpu.memory_space<vmem>>) dst(%dma_wait3A_210 : memref<50176xf32, #tpu.memory_space<vmem_shared>>)
        %dma_wait3A_211 = arith.constant 0 : i32
        %dma_wait3A_212 = tpu.memref_slice %arg31[%dma_wait3A_211] : memref<50176xf32, #tpu.memory_space<vmem_shared>> -> memref<50176xf32, #tpu.memory_space<vmem_shared>>
        tpu.wait_indirect_dma semaphore(%arg36 : memref<!tpu.dma_semaphore, #tpu.memory_space<semaphore_mem>>) src(%arg21 : memref<512xf32, #tpu.memory_space<vmem>>) dst(%dma_wait3A_212 : memref<50176xf32, #tpu.memory_space<vmem_shared>>)
        %dma_wait3A_213 = arith.constant 0 : i32
        %dma_wait3A_214 = tpu.memref_slice %arg32[%dma_wait3A_213] : memref<50176xf32, #tpu.memory_space<vmem_shared>> -> memref<50176xf32, #tpu.memory_space<vmem_shared>>
        tpu.wait_indirect_dma semaphore(%arg36 : memref<!tpu.dma_semaphore, #tpu.memory_space<semaphore_mem>>) src(%arg22 : memref<512xf32, #tpu.memory_space<vmem>>) dst(%dma_wait3A_214 : memref<50176xf32, #tpu.memory_space<vmem_shared>>)
      } else {
      }
      %parallel_loop3A_149 = arith.constant 0 : i32
      %parallel_loop3A_150 = arith.constant 32 : i32
      %parallel_loop3A_151 = arith.constant 1 : i32
      scf.for %parallel_loop3A_207 = %parallel_loop3A_149 to %parallel_loop3A_150 step %parallel_loop3A_151  : i32 {
        %parallel_loop3A_208 = arith.constant 8 : i32
        %parallel_loop3A_209 = arith.divsi %parallel_loop3A_207, %parallel_loop3A_208 : i32
        %parallel_loop3A_210 = arith.constant 0 : i32
        %parallel_loop3A_211 = arith.cmpi sgt, %parallel_loop3A_207, %parallel_loop3A_210 : i32
        %parallel_loop3A_212 = arith.extui %parallel_loop3A_211 : i1 to i32
        %parallel_loop3A_213 = arith.constant 0 : i32
        %parallel_loop3A_214 = arith.cmpi slt, %parallel_loop3A_207, %parallel_loop3A_213 : i32
        %parallel_loop3A_215 = arith.extui %parallel_loop3A_214 : i1 to i32
        %parallel_loop3A_216 = arith.subi %parallel_loop3A_212, %parallel_loop3A_215 : i32
        %parallel_loop3A_217 = arith.constant 0 : i32
        %parallel_loop3A_218 = arith.cmpi sgt, %parallel_loop3A_208, %parallel_loop3A_217 : i32
        %parallel_loop3A_219 = arith.extui %parallel_loop3A_218 : i1 to i32
        %parallel_loop3A_220 = arith.constant 0 : i32
        %parallel_loop3A_221 = arith.cmpi slt, %parallel_loop3A_208, %parallel_loop3A_220 : i32
        %parallel_loop3A_222 = arith.extui %parallel_loop3A_221 : i1 to i32
        %parallel_loop3A_223 = arith.subi %parallel_loop3A_219, %parallel_loop3A_222 : i32
        %parallel_loop3A_224 = arith.cmpi ne, %parallel_loop3A_216, %parallel_loop3A_223 : i32
        %parallel_loop3A_225 = arith.remsi %parallel_loop3A_207, %parallel_loop3A_208 : i32
        %parallel_loop3A_226 = arith.constant 0 : i32
        %parallel_loop3A_227 = arith.cmpi ne, %parallel_loop3A_225, %parallel_loop3A_226 : i32
        %parallel_loop3A_228 = arith.andi %parallel_loop3A_224, %parallel_loop3A_227 : i1
        %parallel_loop3A_229 = arith.constant 1 : i32
        %parallel_loop3A_230 = arith.subi %parallel_loop3A_209, %parallel_loop3A_229 : i32
        %parallel_loop3A_231 = arith.select %parallel_loop3A_228, %parallel_loop3A_230, %parallel_loop3A_209 : i32
        %parallel_loop3A_232 = arith.constant 2 : i32
        %parallel_loop3A_233 = arith.muli %parallel_loop3A_232, %parallel_loop3A_231 : i32
        %parallel_loop3A_234 = arith.constant 8 : i32
        %parallel_loop3A_235 = arith.constant 0 : i32
        %parallel_loop3A_236 = arith.cmpi eq, %parallel_loop3A_234, %parallel_loop3A_235 : i32
        %parallel_loop3A_237 = arith.constant 1 : i32
        %parallel_loop3A_238 = arith.select %parallel_loop3A_236, %parallel_loop3A_237, %parallel_loop3A_234 : i32
        %parallel_loop3A_239 = arith.remsi %parallel_loop3A_207, %parallel_loop3A_238 : i32
        %parallel_loop3A_240 = arith.constant 0 : i32
        %parallel_loop3A_241 = arith.cmpi ne, %parallel_loop3A_239, %parallel_loop3A_240 : i32
        %parallel_loop3A_242 = arith.constant 0 : i32
        %parallel_loop3A_243 = arith.cmpi slt, %parallel_loop3A_239, %parallel_loop3A_242 : i32
        %parallel_loop3A_244 = arith.constant 0 : i32
        %parallel_loop3A_245 = arith.cmpi slt, %parallel_loop3A_238, %parallel_loop3A_244 : i32
        %parallel_loop3A_246 = arith.xori %parallel_loop3A_243, %parallel_loop3A_245 : i1
        %parallel_loop3A_247 = arith.andi %parallel_loop3A_246, %parallel_loop3A_241 : i1
        %parallel_loop3A_248 = arith.addi %parallel_loop3A_239, %parallel_loop3A_238 : i32
        %parallel_loop3A_249 = arith.select %parallel_loop3A_247, %parallel_loop3A_248, %parallel_loop3A_239 : i32
        %parallel_loop3A_250 = arith.constant 16 : i32
        %parallel_loop3A_251 = arith.muli %parallel_loop3A_249, %parallel_loop3A_250 : i32
        %parallel_loop3A_252 = arith.index_cast %parallel_loop3A_233 : i32 to index
        %parallel_loop3A_253 = arith.index_cast %parallel_loop3A_251 : i32 to index
        %parallel_loop3A_254 = tpu.vector_load %arg13[%parallel_loop3A_252, %parallel_loop3A_253] {strides = array<i32>} : memref<8x128xi32, #tpu.memory_space<vmem>>, vector<16xi32>,
        %parallel_loop3A_255 = arith.constant 1 : i32
        %parallel_loop3A_256 = arith.addi %parallel_loop3A_233, %parallel_loop3A_255 : i32
        %parallel_loop3A_257 = arith.index_cast %parallel_loop3A_256 : i32 to index
        %parallel_loop3A_258 = arith.index_cast %parallel_loop3A_251 : i32 to index
        %parallel_loop3A_259 = tpu.vector_load %arg13[%parallel_loop3A_257, %parallel_loop3A_258] {strides = array<i32>} : memref<8x128xi32, #tpu.memory_space<vmem>>, vector<16xi32>,
        %parallel_loop3A_260 = arith.index_cast %parallel_loop3A_233 : i32 to index
        %parallel_loop3A_261 = arith.index_cast %parallel_loop3A_251 : i32 to index
        %parallel_loop3A_262 = tpu.vector_load %arg14[%parallel_loop3A_260, %parallel_loop3A_261] {strides = array<i32>} : memref<8x128xf32, #tpu.memory_space<vmem>>, vector<16xf32>,
        %parallel_loop3A_263 = arith.constant 1 : i32
        %parallel_loop3A_264 = arith.addi %parallel_loop3A_233, %parallel_loop3A_263 : i32
        %parallel_loop3A_265 = arith.index_cast %parallel_loop3A_264 : i32 to index
        %parallel_loop3A_266 = arith.index_cast %parallel_loop3A_251 : i32 to index
        %parallel_loop3A_267 = tpu.vector_load %arg14[%parallel_loop3A_265, %parallel_loop3A_266] {strides = array<i32>} : memref<8x128xf32, #tpu.memory_space<vmem>>, vector<16xf32>,
        %parallel_loop3A_268 = tpu.vector_load_idx %arg11[%parallel_loop3A_254] : memref<50176xf32, #tpu.memory_space<vmem>>[vector<16xi32>], vector<16xf32>,
        %parallel_loop3A_269 = tpu.vector_load_idx %arg12[%parallel_loop3A_254] : memref<50176xf32, #tpu.memory_space<vmem>>[vector<16xi32>], vector<16xf32>,
        %parallel_loop3A_270 = tpu.vector_load_idx %arg11[%parallel_loop3A_259] : memref<50176xf32, #tpu.memory_space<vmem>>[vector<16xi32>], vector<16xf32>,
        %parallel_loop3A_271 = tpu.vector_load_idx %arg12[%parallel_loop3A_259] : memref<50176xf32, #tpu.memory_space<vmem>>[vector<16xi32>], vector<16xf32>,
        %parallel_loop3A_272 = arith.subf %parallel_loop3A_268, %parallel_loop3A_270 : vector<16xf32>
        %parallel_loop3A_273 = arith.subf %parallel_loop3A_269, %parallel_loop3A_271 : vector<16xf32>
        %parallel_loop3A_274 = arith.mulf %parallel_loop3A_262, %parallel_loop3A_272 : vector<16xf32>
        %parallel_loop3A_275 = arith.mulf %parallel_loop3A_267, %parallel_loop3A_273 : vector<16xf32>
        %parallel_loop3A_276 = arith.subf %parallel_loop3A_274, %parallel_loop3A_275 : vector<16xf32>
        %parallel_loop3A_277 = arith.mulf %parallel_loop3A_262, %parallel_loop3A_273 : vector<16xf32>
        %parallel_loop3A_278 = arith.mulf %parallel_loop3A_267, %parallel_loop3A_272 : vector<16xf32>
        %parallel_loop3A_279 = arith.addf %parallel_loop3A_277, %parallel_loop3A_278 : vector<16xf32>
        %parallel_loop3A_280 = arith.constant 16 : i32
        %parallel_loop3A_281 = arith.muli %parallel_loop3A_207, %parallel_loop3A_280 : i32
        %parallel_loop3A_282 = arith.index_cast %parallel_loop3A_281 : i32 to index
        %parallel_loop3A_283 = tpu.vector_load %arg17[%parallel_loop3A_282] {strides = array<i32>} : memref<512xi32, #tpu.memory_space<vmem>>, vector<16xi32>,
        tpu.vector_store %arg17[%parallel_loop3A_282], %parallel_loop3A_254 {strides = array<i32>} : memref<512xi32, #tpu.memory_space<vmem>>, vector<16xi32>,
        %parallel_loop3A_284 = arith.index_cast %parallel_loop3A_281 : i32 to index
        %parallel_loop3A_285 = tpu.vector_load %arg18[%parallel_loop3A_284] {strides = array<i32>} : memref<512xi32, #tpu.memory_space<vmem>>, vector<16xi32>,
        tpu.vector_store %arg18[%parallel_loop3A_284], %parallel_loop3A_259 {strides = array<i32>} : memref<512xi32, #tpu.memory_space<vmem>>, vector<16xi32>,
        %parallel_loop3A_286 = arith.index_cast %parallel_loop3A_281 : i32 to index
        %parallel_loop3A_287 = tpu.vector_load %arg19[%parallel_loop3A_286] {strides = array<i32>} : memref<512xf32, #tpu.memory_space<vmem>>, vector<16xf32>,
        tpu.vector_store %arg19[%parallel_loop3A_286], %parallel_loop3A_276 {strides = array<i32>} : memref<512xf32, #tpu.memory_space<vmem>>, vector<16xf32>,
        %parallel_loop3A_288 = arith.index_cast %parallel_loop3A_281 : i32 to index
        %parallel_loop3A_289 = tpu.vector_load %arg20[%parallel_loop3A_288] {strides = array<i32>} : memref<512xf32, #tpu.memory_space<vmem>>, vector<16xf32>,
        tpu.vector_store %arg20[%parallel_loop3A_288], %parallel_loop3A_279 {strides = array<i32>} : memref<512xf32, #tpu.memory_space<vmem>>, vector<16xf32>,
        %parallel_loop3A_290 = arith.constant 0.000000e+00 : f32
        %parallel_loop3A_291 = vector.broadcast %parallel_loop3A_290 : f32 to vector<16xf32>
        %parallel_loop3A_292 = arith.subf %parallel_loop3A_291, %parallel_loop3A_276 : vector<16xf32>
        %parallel_loop3A_293 = arith.index_cast %parallel_loop3A_281 : i32 to index
        %parallel_loop3A_294 = tpu.vector_load %arg21[%parallel_loop3A_293] {strides = array<i32>} : memref<512xf32, #tpu.memory_space<vmem>>, vector<16xf32>,
        tpu.vector_store %arg21[%parallel_loop3A_293], %parallel_loop3A_292 {strides = array<i32>} : memref<512xf32, #tpu.memory_space<vmem>>, vector<16xf32>,
        %parallel_loop3A_295 = arith.constant 0.000000e+00 : f32
        %parallel_loop3A_296 = vector.broadcast %parallel_loop3A_295 : f32 to vector<16xf32>
        %parallel_loop3A_297 = arith.subf %parallel_loop3A_296, %parallel_loop3A_279 : vector<16xf32>
        %parallel_loop3A_298 = arith.index_cast %parallel_loop3A_281 : i32 to index
        %parallel_loop3A_299 = tpu.vector_load %arg22[%parallel_loop3A_298] {strides = array<i32>} : memref<512xf32, #tpu.memory_space<vmem>>, vector<16xf32>,
        tpu.vector_store %arg22[%parallel_loop3A_298], %parallel_loop3A_297 {strides = array<i32>} : memref<512xf32, #tpu.memory_space<vmem>>, vector<16xf32>,
      } {sc.loop_unroll_factor = 1 : i64, sc.parallel_access}
      %dma_start3A_152 = arith.constant 0 : i32
      %dma_start3A_153 = tpu.memref_slice %arg31[%dma_start3A_152] : memref<50176xf32, #tpu.memory_space<vmem_shared>> -> memref<50176xf32, #tpu.memory_space<vmem_shared>>
      tpu.enqueue_indirect_dma source(%arg19 : memref<512xf32, #tpu.memory_space<vmem>>) target(%dma_start3A_153 : memref<50176xf32, #tpu.memory_space<vmem_shared>>) offsets(%arg17 : memref<512xi32, #tpu.memory_space<vmem>>) semaphore(%arg36 : memref<!tpu.dma_semaphore, #tpu.memory_space<semaphore_mem>>) {add = true}
      %dma_start3A_154 = arith.constant 0 : i32
      %dma_start3A_155 = tpu.memref_slice %arg32[%dma_start3A_154] : memref<50176xf32, #tpu.memory_space<vmem_shared>> -> memref<50176xf32, #tpu.memory_space<vmem_shared>>
      tpu.enqueue_indirect_dma source(%arg20 : memref<512xf32, #tpu.memory_space<vmem>>) target(%dma_start3A_155 : memref<50176xf32, #tpu.memory_space<vmem_shared>>) offsets(%arg17 : memref<512xi32, #tpu.memory_space<vmem>>) semaphore(%arg36 : memref<!tpu.dma_semaphore, #tpu.memory_space<semaphore_mem>>) {add = true}
      %dma_start3A_156 = arith.constant 0 : i32
      %dma_start3A_157 = tpu.memref_slice %arg31[%dma_start3A_156] : memref<50176xf32, #tpu.memory_space<vmem_shared>> -> memref<50176xf32, #tpu.memory_space<vmem_shared>>
      tpu.enqueue_indirect_dma source(%arg21 : memref<512xf32, #tpu.memory_space<vmem>>) target(%dma_start3A_157 : memref<50176xf32, #tpu.memory_space<vmem_shared>>) offsets(%arg18 : memref<512xi32, #tpu.memory_space<vmem>>) semaphore(%arg36 : memref<!tpu.dma_semaphore, #tpu.memory_space<semaphore_mem>>) {add = true}
      %dma_start3A_158 = arith.constant 0 : i32
      %dma_start3A_159 = tpu.memref_slice %arg32[%dma_start3A_158] : memref<50176xf32, #tpu.memory_space<vmem_shared>> -> memref<50176xf32, #tpu.memory_space<vmem_shared>>
      tpu.enqueue_indirect_dma source(%arg22 : memref<512xf32, #tpu.memory_space<vmem>>) target(%dma_start3A_159 : memref<50176xf32, #tpu.memory_space<vmem_shared>>) offsets(%arg18 : memref<512xi32, #tpu.memory_space<vmem>>) semaphore(%arg36 : memref<!tpu.dma_semaphore, #tpu.memory_space<semaphore_mem>>) {add = true}
      %add3A_160 = arith.constant 2 : i32
      %add3A_161 = arith.addi %mul3A_130, %add3A_160 : i32
      %lt3A_162 = arith.constant 97 : i32
      %lt3A_163 = arith.cmpi slt, %add3A_161, %lt3A_162 : i32
      %convert_element_type3A_164 = arith.extui %lt3A_163 : i1 to i32
      %cond3A_165 = arith.constant 0 : i32
      %cond3A_166 = arith.cmpi ne, %convert_element_type3A_164, %cond3A_165 : i32
      scf.if %cond3A_166 {
        %add3A_207 = arith.addi %mul3A_4, %mul3A_130 : i32
        %add3A_208 = arith.constant 2 : i32
        %add3A_209 = arith.addi %add3A_207, %add3A_208 : i32
        %mul3A_210 = arith.constant 8 : i32
        %mul3A_211 = arith.muli %add3A_209, %mul3A_210 : i32
        %mul3A_212 = arith.constant 8 : i32
        %mul3A_213 = arith.muli %add3A_209, %mul3A_212 : i32
        %dma_start3A_214 = arith.constant 0 : i32
        %dma_start3A_215 = tpu.memref_slice %arg2[%mul3A_211, %dma_start3A_214] : memref<25000x128xi32, #tpu.memory_space<hbm>> -> memref<8x128xi32, #tpu.memory_space<hbm>>
        %dma_start3A_216 = arith.constant 0 : i32
        %dma_start3A_217 = tpu.memref_slice %arg2[%mul3A_211, %dma_start3A_216] : memref<25000x128xi32, #tpu.memory_space<hbm>> -> memref<8x128xi32, #tpu.memory_space<hbm>>
        tpu.enqueue_dma source(%dma_start3A_217 : memref<8x128xi32, #tpu.memory_space<hbm>>) target(%arg13 : memref<8x128xi32, #tpu.memory_space<vmem>>) target_semaphore(%arg34 : memref<!tpu.dma_semaphore, #tpu.memory_space<semaphore_mem>>)
        %dma_start3A_218 = arith.constant 0 : i32
        %dma_start3A_219 = tpu.memref_slice %arg3[%mul3A_213, %dma_start3A_218] : memref<25000x128xf32, #tpu.memory_space<hbm>> -> memref<8x128xf32, #tpu.memory_space<hbm>>
        %dma_start3A_220 = arith.constant 0 : i32
        %dma_start3A_221 = tpu.memref_slice %arg3[%mul3A_213, %dma_start3A_220] : memref<25000x128xf32, #tpu.memory_space<hbm>> -> memref<8x128xf32, #tpu.memory_space<hbm>>
        tpu.enqueue_dma source(%dma_start3A_221 : memref<8x128xf32, #tpu.memory_space<hbm>>) target(%arg14 : memref<8x128xf32, #tpu.memory_space<vmem>>) target_semaphore(%arg34 : memref<!tpu.dma_semaphore, #tpu.memory_space<semaphore_mem>>)
      } else {
      }
      %mul3A_167 = arith.constant 2 : i32
      %mul3A_168 = arith.muli %mul3A_167, %scan3A_128 : i32
      %add3A_169 = arith.constant 1 : i32
      %add3A_170 = arith.addi %mul3A_168, %add3A_169 : i32
      %add3A_171 = arith.addi %mul3A_4, %add3A_170 : i32
      %mul3A_172 = arith.constant 8 : i32
      %mul3A_173 = arith.muli %add3A_171, %mul3A_172 : i32
      %mul3A_174 = arith.constant 8 : i32
      %mul3A_175 = arith.muli %add3A_171, %mul3A_174 : i32
      %dma_wait3A_176 = arith.constant 0 : i32
      %dma_wait3A_177 = tpu.memref_slice %arg2[%mul3A_173, %dma_wait3A_176] : memref<25000x128xi32, #tpu.memory_space<hbm>> -> memref<8x128xi32, #tpu.memory_space<hbm>>
      %dma_wait3A_178 = arith.constant 0 : i32
      %dma_wait3A_179 = tpu.memref_slice %arg2[%mul3A_173, %dma_wait3A_178] : memref<25000x128xi32, #tpu.memory_space<hbm>> -> memref<8x128xi32, #tpu.memory_space<hbm>>
      tpu.wait_dma2 semaphore(%arg35 : memref<!tpu.dma_semaphore, #tpu.memory_space<semaphore_mem>>) src(%dma_wait3A_179 : memref<8x128xi32, #tpu.memory_space<hbm>>) dst(%arg15 : memref<8x128xi32, #tpu.memory_space<vmem>>)
      %dma_wait3A_180 = arith.constant 0 : i32
      %dma_wait3A_181 = tpu.memref_slice %arg3[%mul3A_175, %dma_wait3A_180] : memref<25000x128xf32, #tpu.memory_space<hbm>> -> memref<8x128xf32, #tpu.memory_space<hbm>>
      %dma_wait3A_182 = arith.constant 0 : i32
      %dma_wait3A_183 = tpu.memref_slice %arg3[%mul3A_175, %dma_wait3A_182] : memref<25000x128xf32, #tpu.memory_space<hbm>> -> memref<8x128xf32, #tpu.memory_space<hbm>>
      tpu.wait_dma2 semaphore(%arg35 : memref<!tpu.dma_semaphore, #tpu.memory_space<semaphore_mem>>) src(%dma_wait3A_183 : memref<8x128xf32, #tpu.memory_space<hbm>>) dst(%arg16 : memref<8x128xf32, #tpu.memory_space<vmem>>)
      %ge3A_184 = arith.constant 2 : i32
      %ge3A_185 = arith.cmpi sge, %add3A_170, %ge3A_184 : i32
      %convert_element_type3A_186 = arith.extui %ge3A_185 : i1 to i32
      %cond3A_187 = arith.constant 0 : i32
      %cond3A_188 = arith.cmpi ne, %convert_element_type3A_186, %cond3A_187 : i32
      scf.if %cond3A_188 {
        %dma_wait3A_207 = arith.constant 0 : i32
        %dma_wait3A_208 = tpu.memref_slice %arg31[%dma_wait3A_207] : memref<50176xf32, #tpu.memory_space<vmem_shared>> -> memref<50176xf32, #tpu.memory_space<vmem_shared>>
        tpu.wait_indirect_dma semaphore(%arg37 : memref<!tpu.dma_semaphore, #tpu.memory_space<semaphore_mem>>) src(%arg25 : memref<512xf32, #tpu.memory_space<vmem>>) dst(%dma_wait3A_208 : memref<50176xf32, #tpu.memory_space<vmem_shared>>)
        %dma_wait3A_209 = arith.constant 0 : i32
        %dma_wait3A_210 = tpu.memref_slice %arg32[%dma_wait3A_209] : memref<50176xf32, #tpu.memory_space<vmem_shared>> -> memref<50176xf32, #tpu.memory_space<vmem_shared>>
        tpu.wait_indirect_dma semaphore(%arg37 : memref<!tpu.dma_semaphore, #tpu.memory_space<semaphore_mem>>) src(%arg26 : memref<512xf32, #tpu.memory_space<vmem>>) dst(%dma_wait3A_210 : memref<50176xf32, #tpu.memory_space<vmem_shared>>)
        %dma_wait3A_211 = arith.constant 0 : i32
        %dma_wait3A_212 = tpu.memref_slice %arg31[%dma_wait3A_211] : memref<50176xf32, #tpu.memory_space<vmem_shared>> -> memref<50176xf32, #tpu.memory_space<vmem_shared>>
        tpu.wait_indirect_dma semaphore(%arg37 : memref<!tpu.dma_semaphore, #tpu.memory_space<semaphore_mem>>) src(%arg27 : memref<512xf32, #tpu.memory_space<vmem>>) dst(%dma_wait3A_212 : memref<50176xf32, #tpu.memory_space<vmem_shared>>)
        %dma_wait3A_213 = arith.constant 0 : i32
        %dma_wait3A_214 = tpu.memref_slice %arg32[%dma_wait3A_213] : memref<50176xf32, #tpu.memory_space<vmem_shared>> -> memref<50176xf32, #tpu.memory_space<vmem_shared>>
        tpu.wait_indirect_dma semaphore(%arg37 : memref<!tpu.dma_semaphore, #tpu.memory_space<semaphore_mem>>) src(%arg28 : memref<512xf32, #tpu.memory_space<vmem>>) dst(%dma_wait3A_214 : memref<50176xf32, #tpu.memory_space<vmem_shared>>)
      } else {
      }
      %parallel_loop3A_189 = arith.constant 0 : i32
      %parallel_loop3A_190 = arith.constant 32 : i32
      %parallel_loop3A_191 = arith.constant 1 : i32
      scf.for %parallel_loop3A_207 = %parallel_loop3A_189 to %parallel_loop3A_190 step %parallel_loop3A_191  : i32 {
        %parallel_loop3A_208 = arith.constant 8 : i32
        %parallel_loop3A_209 = arith.divsi %parallel_loop3A_207, %parallel_loop3A_208 : i32
        %parallel_loop3A_210 = arith.constant 0 : i32
        %parallel_loop3A_211 = arith.cmpi sgt, %parallel_loop3A_207, %parallel_loop3A_210 : i32
        %parallel_loop3A_212 = arith.extui %parallel_loop3A_211 : i1 to i32
        %parallel_loop3A_213 = arith.constant 0 : i32
        %parallel_loop3A_214 = arith.cmpi slt, %parallel_loop3A_207, %parallel_loop3A_213 : i32
        %parallel_loop3A_215 = arith.extui %parallel_loop3A_214 : i1 to i32
        %parallel_loop3A_216 = arith.subi %parallel_loop3A_212, %parallel_loop3A_215 : i32
        %parallel_loop3A_217 = arith.constant 0 : i32
        %parallel_loop3A_218 = arith.cmpi sgt, %parallel_loop3A_208, %parallel_loop3A_217 : i32
        %parallel_loop3A_219 = arith.extui %parallel_loop3A_218 : i1 to i32
        %parallel_loop3A_220 = arith.constant 0 : i32
        %parallel_loop3A_221 = arith.cmpi slt, %parallel_loop3A_208, %parallel_loop3A_220 : i32
        %parallel_loop3A_222 = arith.extui %parallel_loop3A_221 : i1 to i32
        %parallel_loop3A_223 = arith.subi %parallel_loop3A_219, %parallel_loop3A_222 : i32
        %parallel_loop3A_224 = arith.cmpi ne, %parallel_loop3A_216, %parallel_loop3A_223 : i32
        %parallel_loop3A_225 = arith.remsi %parallel_loop3A_207, %parallel_loop3A_208 : i32
        %parallel_loop3A_226 = arith.constant 0 : i32
        %parallel_loop3A_227 = arith.cmpi ne, %parallel_loop3A_225, %parallel_loop3A_226 : i32
        %parallel_loop3A_228 = arith.andi %parallel_loop3A_224, %parallel_loop3A_227 : i1
        %parallel_loop3A_229 = arith.constant 1 : i32
        %parallel_loop3A_230 = arith.subi %parallel_loop3A_209, %parallel_loop3A_229 : i32
        %parallel_loop3A_231 = arith.select %parallel_loop3A_228, %parallel_loop3A_230, %parallel_loop3A_209 : i32
        %parallel_loop3A_232 = arith.constant 2 : i32
        %parallel_loop3A_233 = arith.muli %parallel_loop3A_232, %parallel_loop3A_231 : i32
        %parallel_loop3A_234 = arith.constant 8 : i32
        %parallel_loop3A_235 = arith.constant 0 : i32
        %parallel_loop3A_236 = arith.cmpi eq, %parallel_loop3A_234, %parallel_loop3A_235 : i32
        %parallel_loop3A_237 = arith.constant 1 : i32
        %parallel_loop3A_238 = arith.select %parallel_loop3A_236, %parallel_loop3A_237, %parallel_loop3A_234 : i32
        %parallel_loop3A_239 = arith.remsi %parallel_loop3A_207, %parallel_loop3A_238 : i32
        %parallel_loop3A_240 = arith.constant 0 : i32
        %parallel_loop3A_241 = arith.cmpi ne, %parallel_loop3A_239, %parallel_loop3A_240 : i32
        %parallel_loop3A_242 = arith.constant 0 : i32
        %parallel_loop3A_243 = arith.cmpi slt, %parallel_loop3A_239, %parallel_loop3A_242 : i32
        %parallel_loop3A_244 = arith.constant 0 : i32
        %parallel_loop3A_245 = arith.cmpi slt, %parallel_loop3A_238, %parallel_loop3A_244 : i32
        %parallel_loop3A_246 = arith.xori %parallel_loop3A_243, %parallel_loop3A_245 : i1
        %parallel_loop3A_247 = arith.andi %parallel_loop3A_246, %parallel_loop3A_241 : i1
        %parallel_loop3A_248 = arith.addi %parallel_loop3A_239, %parallel_loop3A_238 : i32
        %parallel_loop3A_249 = arith.select %parallel_loop3A_247, %parallel_loop3A_248, %parallel_loop3A_239 : i32
        %parallel_loop3A_250 = arith.constant 16 : i32
        %parallel_loop3A_251 = arith.muli %parallel_loop3A_249, %parallel_loop3A_250 : i32
        %parallel_loop3A_252 = arith.index_cast %parallel_loop3A_233 : i32 to index
        %parallel_loop3A_253 = arith.index_cast %parallel_loop3A_251 : i32 to index
        %parallel_loop3A_254 = tpu.vector_load %arg15[%parallel_loop3A_252, %parallel_loop3A_253] {strides = array<i32>} : memref<8x128xi32, #tpu.memory_space<vmem>>, vector<16xi32>,
        %parallel_loop3A_255 = arith.constant 1 : i32
        %parallel_loop3A_256 = arith.addi %parallel_loop3A_233, %parallel_loop3A_255 : i32
        %parallel_loop3A_257 = arith.index_cast %parallel_loop3A_256 : i32 to index
        %parallel_loop3A_258 = arith.index_cast %parallel_loop3A_251 : i32 to index
        %parallel_loop3A_259 = tpu.vector_load %arg15[%parallel_loop3A_257, %parallel_loop3A_258] {strides = array<i32>} : memref<8x128xi32, #tpu.memory_space<vmem>>, vector<16xi32>,
        %parallel_loop3A_260 = arith.index_cast %parallel_loop3A_233 : i32 to index
        %parallel_loop3A_261 = arith.index_cast %parallel_loop3A_251 : i32 to index
        %parallel_loop3A_262 = tpu.vector_load %arg16[%parallel_loop3A_260, %parallel_loop3A_261] {strides = array<i32>} : memref<8x128xf32, #tpu.memory_space<vmem>>, vector<16xf32>,
        %parallel_loop3A_263 = arith.constant 1 : i32
        %parallel_loop3A_264 = arith.addi %parallel_loop3A_233, %parallel_loop3A_263 : i32
        %parallel_loop3A_265 = arith.index_cast %parallel_loop3A_264 : i32 to index
        %parallel_loop3A_266 = arith.index_cast %parallel_loop3A_251 : i32 to index
        %parallel_loop3A_267 = tpu.vector_load %arg16[%parallel_loop3A_265, %parallel_loop3A_266] {strides = array<i32>} : memref<8x128xf32, #tpu.memory_space<vmem>>, vector<16xf32>,
        %parallel_loop3A_268 = tpu.vector_load_idx %arg11[%parallel_loop3A_254] : memref<50176xf32, #tpu.memory_space<vmem>>[vector<16xi32>], vector<16xf32>,
        %parallel_loop3A_269 = tpu.vector_load_idx %arg12[%parallel_loop3A_254] : memref<50176xf32, #tpu.memory_space<vmem>>[vector<16xi32>], vector<16xf32>,
        %parallel_loop3A_270 = tpu.vector_load_idx %arg11[%parallel_loop3A_259] : memref<50176xf32, #tpu.memory_space<vmem>>[vector<16xi32>], vector<16xf32>,
        %parallel_loop3A_271 = tpu.vector_load_idx %arg12[%parallel_loop3A_259] : memref<50176xf32, #tpu.memory_space<vmem>>[vector<16xi32>], vector<16xf32>,
        %parallel_loop3A_272 = arith.subf %parallel_loop3A_268, %parallel_loop3A_270 : vector<16xf32>
        %parallel_loop3A_273 = arith.subf %parallel_loop3A_269, %parallel_loop3A_271 : vector<16xf32>
        %parallel_loop3A_274 = arith.mulf %parallel_loop3A_262, %parallel_loop3A_272 : vector<16xf32>
        %parallel_loop3A_275 = arith.mulf %parallel_loop3A_267, %parallel_loop3A_273 : vector<16xf32>
        %parallel_loop3A_276 = arith.subf %parallel_loop3A_274, %parallel_loop3A_275 : vector<16xf32>
        %parallel_loop3A_277 = arith.mulf %parallel_loop3A_262, %parallel_loop3A_273 : vector<16xf32>
        %parallel_loop3A_278 = arith.mulf %parallel_loop3A_267, %parallel_loop3A_272 : vector<16xf32>
        %parallel_loop3A_279 = arith.addf %parallel_loop3A_277, %parallel_loop3A_278 : vector<16xf32>
        %parallel_loop3A_280 = arith.constant 16 : i32
        %parallel_loop3A_281 = arith.muli %parallel_loop3A_207, %parallel_loop3A_280 : i32
        %parallel_loop3A_282 = arith.index_cast %parallel_loop3A_281 : i32 to index
        %parallel_loop3A_283 = tpu.vector_load %arg23[%parallel_loop3A_282] {strides = array<i32>} : memref<512xi32, #tpu.memory_space<vmem>>, vector<16xi32>,
        tpu.vector_store %arg23[%parallel_loop3A_282], %parallel_loop3A_254 {strides = array<i32>} : memref<512xi32, #tpu.memory_space<vmem>>, vector<16xi32>,
        %parallel_loop3A_284 = arith.index_cast %parallel_loop3A_281 : i32 to index
        %parallel_loop3A_285 = tpu.vector_load %arg24[%parallel_loop3A_284] {strides = array<i32>} : memref<512xi32, #tpu.memory_space<vmem>>, vector<16xi32>,
        tpu.vector_store %arg24[%parallel_loop3A_284], %parallel_loop3A_259 {strides = array<i32>} : memref<512xi32, #tpu.memory_space<vmem>>, vector<16xi32>,
        %parallel_loop3A_286 = arith.index_cast %parallel_loop3A_281 : i32 to index
        %parallel_loop3A_287 = tpu.vector_load %arg25[%parallel_loop3A_286] {strides = array<i32>} : memref<512xf32, #tpu.memory_space<vmem>>, vector<16xf32>,
        tpu.vector_store %arg25[%parallel_loop3A_286], %parallel_loop3A_276 {strides = array<i32>} : memref<512xf32, #tpu.memory_space<vmem>>, vector<16xf32>,
        %parallel_loop3A_288 = arith.index_cast %parallel_loop3A_281 : i32 to index
        %parallel_loop3A_289 = tpu.vector_load %arg26[%parallel_loop3A_288] {strides = array<i32>} : memref<512xf32, #tpu.memory_space<vmem>>, vector<16xf32>,
        tpu.vector_store %arg26[%parallel_loop3A_288], %parallel_loop3A_279 {strides = array<i32>} : memref<512xf32, #tpu.memory_space<vmem>>, vector<16xf32>,
        %parallel_loop3A_290 = arith.constant 0.000000e+00 : f32
        %parallel_loop3A_291 = vector.broadcast %parallel_loop3A_290 : f32 to vector<16xf32>
        %parallel_loop3A_292 = arith.subf %parallel_loop3A_291, %parallel_loop3A_276 : vector<16xf32>
        %parallel_loop3A_293 = arith.index_cast %parallel_loop3A_281 : i32 to index
        %parallel_loop3A_294 = tpu.vector_load %arg27[%parallel_loop3A_293] {strides = array<i32>} : memref<512xf32, #tpu.memory_space<vmem>>, vector<16xf32>,
        tpu.vector_store %arg27[%parallel_loop3A_293], %parallel_loop3A_292 {strides = array<i32>} : memref<512xf32, #tpu.memory_space<vmem>>, vector<16xf32>,
        %parallel_loop3A_295 = arith.constant 0.000000e+00 : f32
        %parallel_loop3A_296 = vector.broadcast %parallel_loop3A_295 : f32 to vector<16xf32>
        %parallel_loop3A_297 = arith.subf %parallel_loop3A_296, %parallel_loop3A_279 : vector<16xf32>
        %parallel_loop3A_298 = arith.index_cast %parallel_loop3A_281 : i32 to index
        %parallel_loop3A_299 = tpu.vector_load %arg28[%parallel_loop3A_298] {strides = array<i32>} : memref<512xf32, #tpu.memory_space<vmem>>, vector<16xf32>,
        tpu.vector_store %arg28[%parallel_loop3A_298], %parallel_loop3A_297 {strides = array<i32>} : memref<512xf32, #tpu.memory_space<vmem>>, vector<16xf32>,
      } {sc.loop_unroll_factor = 1 : i64, sc.parallel_access}
      %dma_start3A_192 = arith.constant 0 : i32
      %dma_start3A_193 = tpu.memref_slice %arg31[%dma_start3A_192] : memref<50176xf32, #tpu.memory_space<vmem_shared>> -> memref<50176xf32, #tpu.memory_space<vmem_shared>>
      tpu.enqueue_indirect_dma source(%arg25 : memref<512xf32, #tpu.memory_space<vmem>>) target(%dma_start3A_193 : memref<50176xf32, #tpu.memory_space<vmem_shared>>) offsets(%arg23 : memref<512xi32, #tpu.memory_space<vmem>>) semaphore(%arg37 : memref<!tpu.dma_semaphore, #tpu.memory_space<semaphore_mem>>) {add = true}
      %dma_start3A_194 = arith.constant 0 : i32
      %dma_start3A_195 = tpu.memref_slice %arg32[%dma_start3A_194] : memref<50176xf32, #tpu.memory_space<vmem_shared>> -> memref<50176xf32, #tpu.memory_space<vmem_shared>>
      tpu.enqueue_indirect_dma source(%arg26 : memref<512xf32, #tpu.memory_space<vmem>>) target(%dma_start3A_195 : memref<50176xf32, #tpu.memory_space<vmem_shared>>) offsets(%arg23 : memref<512xi32, #tpu.memory_space<vmem>>) semaphore(%arg37 : memref<!tpu.dma_semaphore, #tpu.memory_space<semaphore_mem>>) {add = true}
      %dma_start3A_196 = arith.constant 0 : i32
      %dma_start3A_197 = tpu.memref_slice %arg31[%dma_start3A_196] : memref<50176xf32, #tpu.memory_space<vmem_shared>> -> memref<50176xf32, #tpu.memory_space<vmem_shared>>
      tpu.enqueue_indirect_dma source(%arg27 : memref<512xf32, #tpu.memory_space<vmem>>) target(%dma_start3A_197 : memref<50176xf32, #tpu.memory_space<vmem_shared>>) offsets(%arg24 : memref<512xi32, #tpu.memory_space<vmem>>) semaphore(%arg37 : memref<!tpu.dma_semaphore, #tpu.memory_space<semaphore_mem>>) {add = true}
      %dma_start3A_198 = arith.constant 0 : i32
      %dma_start3A_199 = tpu.memref_slice %arg32[%dma_start3A_198] : memref<50176xf32, #tpu.memory_space<vmem_shared>> -> memref<50176xf32, #tpu.memory_space<vmem_shared>>
      tpu.enqueue_indirect_dma source(%arg28 : memref<512xf32, #tpu.memory_space<vmem>>) target(%dma_start3A_199 : memref<50176xf32, #tpu.memory_space<vmem_shared>>) offsets(%arg24 : memref<512xi32, #tpu.memory_space<vmem>>) semaphore(%arg37 : memref<!tpu.dma_semaphore, #tpu.memory_space<semaphore_mem>>) {add = true}
      %add3A_200 = arith.constant 2 : i32
      %add3A_201 = arith.addi %add3A_170, %add3A_200 : i32
      %lt3A_202 = arith.constant 97 : i32
      %lt3A_203 = arith.cmpi slt, %add3A_201, %lt3A_202 : i32
      %convert_element_type3A_204 = arith.extui %lt3A_203 : i1 to i32
      %cond3A_205 = arith.constant 0 : i32
      %cond3A_206 = arith.cmpi ne, %convert_element_type3A_204, %cond3A_205 : i32
      scf.if %cond3A_206 {
        %add3A_207 = arith.addi %mul3A_4, %add3A_170 : i32
        %add3A_208 = arith.constant 2 : i32
        %add3A_209 = arith.addi %add3A_207, %add3A_208 : i32
        %mul3A_210 = arith.constant 8 : i32
        %mul3A_211 = arith.muli %add3A_209, %mul3A_210 : i32
        %mul3A_212 = arith.constant 8 : i32
        %mul3A_213 = arith.muli %add3A_209, %mul3A_212 : i32
        %dma_start3A_214 = arith.constant 0 : i32
        %dma_start3A_215 = tpu.memref_slice %arg2[%mul3A_211, %dma_start3A_214] : memref<25000x128xi32, #tpu.memory_space<hbm>> -> memref<8x128xi32, #tpu.memory_space<hbm>>
        %dma_start3A_216 = arith.constant 0 : i32
        %dma_start3A_217 = tpu.memref_slice %arg2[%mul3A_211, %dma_start3A_216] : memref<25000x128xi32, #tpu.memory_space<hbm>> -> memref<8x128xi32, #tpu.memory_space<hbm>>
        tpu.enqueue_dma source(%dma_start3A_217 : memref<8x128xi32, #tpu.memory_space<hbm>>) target(%arg15 : memref<8x128xi32, #tpu.memory_space<vmem>>) target_semaphore(%arg35 : memref<!tpu.dma_semaphore, #tpu.memory_space<semaphore_mem>>)
        %dma_start3A_218 = arith.constant 0 : i32
        %dma_start3A_219 = tpu.memref_slice %arg3[%mul3A_213, %dma_start3A_218] : memref<25000x128xf32, #tpu.memory_space<hbm>> -> memref<8x128xf32, #tpu.memory_space<hbm>>
        %dma_start3A_220 = arith.constant 0 : i32
        %dma_start3A_221 = tpu.memref_slice %arg3[%mul3A_213, %dma_start3A_220] : memref<25000x128xf32, #tpu.memory_space<hbm>> -> memref<8x128xf32, #tpu.memory_space<hbm>>
        tpu.enqueue_dma source(%dma_start3A_221 : memref<8x128xf32, #tpu.memory_space<hbm>>) target(%arg16 : memref<8x128xf32, #tpu.memory_space<vmem>>) target_semaphore(%arg35 : memref<!tpu.dma_semaphore, #tpu.memory_space<semaphore_mem>>)
      } else {
      }
    }
    %scan3A_61 = arith.constant 48 : i32
    %add3A_62 = arith.constant 96 : i32
    %add3A_63 = arith.addi %mul3A_4, %add3A_62 : i32
    %mul3A_64 = arith.constant 8 : i32
    %mul3A_65 = arith.muli %add3A_63, %mul3A_64 : i32
    %mul3A_66 = arith.constant 8 : i32
    %mul3A_67 = arith.muli %add3A_63, %mul3A_66 : i32
    %dma_wait3A_68 = arith.constant 0 : i32
    %dma_wait3A_69 = tpu.memref_slice %arg2[%mul3A_65, %dma_wait3A_68] : memref<25000x128xi32, #tpu.memory_space<hbm>> -> memref<8x128xi32, #tpu.memory_space<hbm>>
    %dma_wait3A_70 = arith.constant 0 : i32
    %dma_wait3A_71 = tpu.memref_slice %arg2[%mul3A_65, %dma_wait3A_70] : memref<25000x128xi32, #tpu.memory_space<hbm>> -> memref<8x128xi32, #tpu.memory_space<hbm>>
    tpu.wait_dma2 semaphore(%arg34 : memref<!tpu.dma_semaphore, #tpu.memory_space<semaphore_mem>>) src(%dma_wait3A_71 : memref<8x128xi32, #tpu.memory_space<hbm>>) dst(%arg13 : memref<8x128xi32, #tpu.memory_space<vmem>>)
    %dma_wait3A_72 = arith.constant 0 : i32
    %dma_wait3A_73 = tpu.memref_slice %arg3[%mul3A_67, %dma_wait3A_72] : memref<25000x128xf32, #tpu.memory_space<hbm>> -> memref<8x128xf32, #tpu.memory_space<hbm>>
    %dma_wait3A_74 = arith.constant 0 : i32
    %dma_wait3A_75 = tpu.memref_slice %arg3[%mul3A_67, %dma_wait3A_74] : memref<25000x128xf32, #tpu.memory_space<hbm>> -> memref<8x128xf32, #tpu.memory_space<hbm>>
    tpu.wait_dma2 semaphore(%arg34 : memref<!tpu.dma_semaphore, #tpu.memory_space<semaphore_mem>>) src(%dma_wait3A_75 : memref<8x128xf32, #tpu.memory_space<hbm>>) dst(%arg14 : memref<8x128xf32, #tpu.memory_space<vmem>>)
    %ge3A = arith.constant 96 : i32
    %ge3A_76 = arith.constant 2 : i32
    %ge3A_77 = arith.cmpi sge, %ge3A, %ge3A_76 : i32
    %convert_element_type3A = arith.extui %ge3A_77 : i1 to i32
    %cond3A = arith.constant 0 : i32
    %cond3A_78 = arith.cmpi ne, %convert_element_type3A, %cond3A : i32
    scf.if %cond3A_78 {
      %dma_wait3A_128 = arith.constant 0 : i32
      %dma_wait3A_129 = tpu.memref_slice %arg31[%dma_wait3A_128] : memref<50176xf32, #tpu.memory_space<vmem_shared>> -> memref<50176xf32, #tpu.memory_space<vmem_shared>>
      tpu.wait_indirect_dma semaphore(%arg36 : memref<!tpu.dma_semaphore, #tpu.memory_space<semaphore_mem>>) src(%arg19 : memref<512xf32, #tpu.memory_space<vmem>>) dst(%dma_wait3A_129 : memref<50176xf32, #tpu.memory_space<vmem_shared>>)
      %dma_wait3A_130 = arith.constant 0 : i32
      %dma_wait3A_131 = tpu.memref_slice %arg32[%dma_wait3A_130] : memref<50176xf32, #tpu.memory_space<vmem_shared>> -> memref<50176xf32, #tpu.memory_space<vmem_shared>>
      tpu.wait_indirect_dma semaphore(%arg36 : memref<!tpu.dma_semaphore, #tpu.memory_space<semaphore_mem>>) src(%arg20 : memref<512xf32, #tpu.memory_space<vmem>>) dst(%dma_wait3A_131 : memref<50176xf32, #tpu.memory_space<vmem_shared>>)
      %dma_wait3A_132 = arith.constant 0 : i32
      %dma_wait3A_133 = tpu.memref_slice %arg31[%dma_wait3A_132] : memref<50176xf32, #tpu.memory_space<vmem_shared>> -> memref<50176xf32, #tpu.memory_space<vmem_shared>>
      tpu.wait_indirect_dma semaphore(%arg36 : memref<!tpu.dma_semaphore, #tpu.memory_space<semaphore_mem>>) src(%arg21 : memref<512xf32, #tpu.memory_space<vmem>>) dst(%dma_wait3A_133 : memref<50176xf32, #tpu.memory_space<vmem_shared>>)
      %dma_wait3A_134 = arith.constant 0 : i32
      %dma_wait3A_135 = tpu.memref_slice %arg32[%dma_wait3A_134] : memref<50176xf32, #tpu.memory_space<vmem_shared>> -> memref<50176xf32, #tpu.memory_space<vmem_shared>>
      tpu.wait_indirect_dma semaphore(%arg36 : memref<!tpu.dma_semaphore, #tpu.memory_space<semaphore_mem>>) src(%arg22 : memref<512xf32, #tpu.memory_space<vmem>>) dst(%dma_wait3A_135 : memref<50176xf32, #tpu.memory_space<vmem_shared>>)
    } else {
    }
    %parallel_loop3A = arith.constant 0 : i32
    %parallel_loop3A_79 = arith.constant 32 : i32
    %parallel_loop3A_80 = arith.constant 1 : i32
    scf.for %parallel_loop3A_128 = %parallel_loop3A to %parallel_loop3A_79 step %parallel_loop3A_80  : i32 {
      %parallel_loop3A_129 = arith.constant 8 : i32
      %parallel_loop3A_130 = arith.divsi %parallel_loop3A_128, %parallel_loop3A_129 : i32
      %parallel_loop3A_131 = arith.constant 0 : i32
      %parallel_loop3A_132 = arith.cmpi sgt, %parallel_loop3A_128, %parallel_loop3A_131 : i32
      %parallel_loop3A_133 = arith.extui %parallel_loop3A_132 : i1 to i32
      %parallel_loop3A_134 = arith.constant 0 : i32
      %parallel_loop3A_135 = arith.cmpi slt, %parallel_loop3A_128, %parallel_loop3A_134 : i32
      %parallel_loop3A_136 = arith.extui %parallel_loop3A_135 : i1 to i32
      %parallel_loop3A_137 = arith.subi %parallel_loop3A_133, %parallel_loop3A_136 : i32
      %parallel_loop3A_138 = arith.constant 0 : i32
      %parallel_loop3A_139 = arith.cmpi sgt, %parallel_loop3A_129, %parallel_loop3A_138 : i32
      %parallel_loop3A_140 = arith.extui %parallel_loop3A_139 : i1 to i32
      %parallel_loop3A_141 = arith.constant 0 : i32
      %parallel_loop3A_142 = arith.cmpi slt, %parallel_loop3A_129, %parallel_loop3A_141 : i32
      %parallel_loop3A_143 = arith.extui %parallel_loop3A_142 : i1 to i32
      %parallel_loop3A_144 = arith.subi %parallel_loop3A_140, %parallel_loop3A_143 : i32
      %parallel_loop3A_145 = arith.cmpi ne, %parallel_loop3A_137, %parallel_loop3A_144 : i32
      %parallel_loop3A_146 = arith.remsi %parallel_loop3A_128, %parallel_loop3A_129 : i32
      %parallel_loop3A_147 = arith.constant 0 : i32
      %parallel_loop3A_148 = arith.cmpi ne, %parallel_loop3A_146, %parallel_loop3A_147 : i32
      %parallel_loop3A_149 = arith.andi %parallel_loop3A_145, %parallel_loop3A_148 : i1
      %parallel_loop3A_150 = arith.constant 1 : i32
      %parallel_loop3A_151 = arith.subi %parallel_loop3A_130, %parallel_loop3A_150 : i32
      %parallel_loop3A_152 = arith.select %parallel_loop3A_149, %parallel_loop3A_151, %parallel_loop3A_130 : i32
      %parallel_loop3A_153 = arith.constant 2 : i32
      %parallel_loop3A_154 = arith.muli %parallel_loop3A_153, %parallel_loop3A_152 : i32
      %parallel_loop3A_155 = arith.constant 8 : i32
      %parallel_loop3A_156 = arith.constant 0 : i32
      %parallel_loop3A_157 = arith.cmpi eq, %parallel_loop3A_155, %parallel_loop3A_156 : i32
      %parallel_loop3A_158 = arith.constant 1 : i32
      %parallel_loop3A_159 = arith.select %parallel_loop3A_157, %parallel_loop3A_158, %parallel_loop3A_155 : i32
      %parallel_loop3A_160 = arith.remsi %parallel_loop3A_128, %parallel_loop3A_159 : i32
      %parallel_loop3A_161 = arith.constant 0 : i32
      %parallel_loop3A_162 = arith.cmpi ne, %parallel_loop3A_160, %parallel_loop3A_161 : i32
      %parallel_loop3A_163 = arith.constant 0 : i32
      %parallel_loop3A_164 = arith.cmpi slt, %parallel_loop3A_160, %parallel_loop3A_163 : i32
      %parallel_loop3A_165 = arith.constant 0 : i32
      %parallel_loop3A_166 = arith.cmpi slt, %parallel_loop3A_159, %parallel_loop3A_165 : i32
      %parallel_loop3A_167 = arith.xori %parallel_loop3A_164, %parallel_loop3A_166 : i1
      %parallel_loop3A_168 = arith.andi %parallel_loop3A_167, %parallel_loop3A_162 : i1
      %parallel_loop3A_169 = arith.addi %parallel_loop3A_160, %parallel_loop3A_159 : i32
      %parallel_loop3A_170 = arith.select %parallel_loop3A_168, %parallel_loop3A_169, %parallel_loop3A_160 : i32
      %parallel_loop3A_171 = arith.constant 16 : i32
      %parallel_loop3A_172 = arith.muli %parallel_loop3A_170, %parallel_loop3A_171 : i32
      %parallel_loop3A_173 = arith.index_cast %parallel_loop3A_154 : i32 to index
      %parallel_loop3A_174 = arith.index_cast %parallel_loop3A_172 : i32 to index
      %parallel_loop3A_175 = tpu.vector_load %arg13[%parallel_loop3A_173, %parallel_loop3A_174] {strides = array<i32>} : memref<8x128xi32, #tpu.memory_space<vmem>>, vector<16xi32>,
      %parallel_loop3A_176 = arith.constant 1 : i32
      %parallel_loop3A_177 = arith.addi %parallel_loop3A_154, %parallel_loop3A_176 : i32
      %parallel_loop3A_178 = arith.index_cast %parallel_loop3A_177 : i32 to index
      %parallel_loop3A_179 = arith.index_cast %parallel_loop3A_172 : i32 to index
      %parallel_loop3A_180 = tpu.vector_load %arg13[%parallel_loop3A_178, %parallel_loop3A_179] {strides = array<i32>} : memref<8x128xi32, #tpu.memory_space<vmem>>, vector<16xi32>,
      %parallel_loop3A_181 = arith.index_cast %parallel_loop3A_154 : i32 to index
      %parallel_loop3A_182 = arith.index_cast %parallel_loop3A_172 : i32 to index
      %parallel_loop3A_183 = tpu.vector_load %arg14[%parallel_loop3A_181, %parallel_loop3A_182] {strides = array<i32>} : memref<8x128xf32, #tpu.memory_space<vmem>>, vector<16xf32>,
      %parallel_loop3A_184 = arith.constant 1 : i32
      %parallel_loop3A_185 = arith.addi %parallel_loop3A_154, %parallel_loop3A_184 : i32
      %parallel_loop3A_186 = arith.index_cast %parallel_loop3A_185 : i32 to index
      %parallel_loop3A_187 = arith.index_cast %parallel_loop3A_172 : i32 to index
      %parallel_loop3A_188 = tpu.vector_load %arg14[%parallel_loop3A_186, %parallel_loop3A_187] {strides = array<i32>} : memref<8x128xf32, #tpu.memory_space<vmem>>, vector<16xf32>,
      %parallel_loop3A_189 = tpu.vector_load_idx %arg11[%parallel_loop3A_175] : memref<50176xf32, #tpu.memory_space<vmem>>[vector<16xi32>], vector<16xf32>,
      %parallel_loop3A_190 = tpu.vector_load_idx %arg12[%parallel_loop3A_175] : memref<50176xf32, #tpu.memory_space<vmem>>[vector<16xi32>], vector<16xf32>,
      %parallel_loop3A_191 = tpu.vector_load_idx %arg11[%parallel_loop3A_180] : memref<50176xf32, #tpu.memory_space<vmem>>[vector<16xi32>], vector<16xf32>,
      %parallel_loop3A_192 = tpu.vector_load_idx %arg12[%parallel_loop3A_180] : memref<50176xf32, #tpu.memory_space<vmem>>[vector<16xi32>], vector<16xf32>,
      %parallel_loop3A_193 = arith.subf %parallel_loop3A_189, %parallel_loop3A_191 : vector<16xf32>
      %parallel_loop3A_194 = arith.subf %parallel_loop3A_190, %parallel_loop3A_192 : vector<16xf32>
      %parallel_loop3A_195 = arith.mulf %parallel_loop3A_183, %parallel_loop3A_193 : vector<16xf32>
      %parallel_loop3A_196 = arith.mulf %parallel_loop3A_188, %parallel_loop3A_194 : vector<16xf32>
      %parallel_loop3A_197 = arith.subf %parallel_loop3A_195, %parallel_loop3A_196 : vector<16xf32>
      %parallel_loop3A_198 = arith.mulf %parallel_loop3A_183, %parallel_loop3A_194 : vector<16xf32>
      %parallel_loop3A_199 = arith.mulf %parallel_loop3A_188, %parallel_loop3A_193 : vector<16xf32>
      %parallel_loop3A_200 = arith.addf %parallel_loop3A_198, %parallel_loop3A_199 : vector<16xf32>
      %parallel_loop3A_201 = arith.constant 16 : i32
      %parallel_loop3A_202 = arith.muli %parallel_loop3A_128, %parallel_loop3A_201 : i32
      %parallel_loop3A_203 = arith.index_cast %parallel_loop3A_202 : i32 to index
      %parallel_loop3A_204 = tpu.vector_load %arg17[%parallel_loop3A_203] {strides = array<i32>} : memref<512xi32, #tpu.memory_space<vmem>>, vector<16xi32>,
      tpu.vector_store %arg17[%parallel_loop3A_203], %parallel_loop3A_175 {strides = array<i32>} : memref<512xi32, #tpu.memory_space<vmem>>, vector<16xi32>,
      %parallel_loop3A_205 = arith.index_cast %parallel_loop3A_202 : i32 to index
      %parallel_loop3A_206 = tpu.vector_load %arg18[%parallel_loop3A_205] {strides = array<i32>} : memref<512xi32, #tpu.memory_space<vmem>>, vector<16xi32>,
      tpu.vector_store %arg18[%parallel_loop3A_205], %parallel_loop3A_180 {strides = array<i32>} : memref<512xi32, #tpu.memory_space<vmem>>, vector<16xi32>,
      %parallel_loop3A_207 = arith.index_cast %parallel_loop3A_202 : i32 to index
      %parallel_loop3A_208 = tpu.vector_load %arg19[%parallel_loop3A_207] {strides = array<i32>} : memref<512xf32, #tpu.memory_space<vmem>>, vector<16xf32>,
      tpu.vector_store %arg19[%parallel_loop3A_207], %parallel_loop3A_197 {strides = array<i32>} : memref<512xf32, #tpu.memory_space<vmem>>, vector<16xf32>,
      %parallel_loop3A_209 = arith.index_cast %parallel_loop3A_202 : i32 to index
      %parallel_loop3A_210 = tpu.vector_load %arg20[%parallel_loop3A_209] {strides = array<i32>} : memref<512xf32, #tpu.memory_space<vmem>>, vector<16xf32>,
      tpu.vector_store %arg20[%parallel_loop3A_209], %parallel_loop3A_200 {strides = array<i32>} : memref<512xf32, #tpu.memory_space<vmem>>, vector<16xf32>,
      %parallel_loop3A_211 = arith.constant 0.000000e+00 : f32
      %parallel_loop3A_212 = vector.broadcast %parallel_loop3A_211 : f32 to vector<16xf32>
      %parallel_loop3A_213 = arith.subf %parallel_loop3A_212, %parallel_loop3A_197 : vector<16xf32>
      %parallel_loop3A_214 = arith.index_cast %parallel_loop3A_202 : i32 to index
      %parallel_loop3A_215 = tpu.vector_load %arg21[%parallel_loop3A_214] {strides = array<i32>} : memref<512xf32, #tpu.memory_space<vmem>>, vector<16xf32>,
      tpu.vector_store %arg21[%parallel_loop3A_214], %parallel_loop3A_213 {strides = array<i32>} : memref<512xf32, #tpu.memory_space<vmem>>, vector<16xf32>,
      %parallel_loop3A_216 = arith.constant 0.000000e+00 : f32
      %parallel_loop3A_217 = vector.broadcast %parallel_loop3A_216 : f32 to vector<16xf32>
      %parallel_loop3A_218 = arith.subf %parallel_loop3A_217, %parallel_loop3A_200 : vector<16xf32>
      %parallel_loop3A_219 = arith.index_cast %parallel_loop3A_202 : i32 to index
      %parallel_loop3A_220 = tpu.vector_load %arg22[%parallel_loop3A_219] {strides = array<i32>} : memref<512xf32, #tpu.memory_space<vmem>>, vector<16xf32>,
      tpu.vector_store %arg22[%parallel_loop3A_219], %parallel_loop3A_218 {strides = array<i32>} : memref<512xf32, #tpu.memory_space<vmem>>, vector<16xf32>,
    } {sc.loop_unroll_factor = 1 : i64, sc.parallel_access}
    %dma_start3A_81 = arith.constant 0 : i32
    %dma_start3A_82 = tpu.memref_slice %arg31[%dma_start3A_81] : memref<50176xf32, #tpu.memory_space<vmem_shared>> -> memref<50176xf32, #tpu.memory_space<vmem_shared>>
    tpu.enqueue_indirect_dma source(%arg19 : memref<512xf32, #tpu.memory_space<vmem>>) target(%dma_start3A_82 : memref<50176xf32, #tpu.memory_space<vmem_shared>>) offsets(%arg17 : memref<512xi32, #tpu.memory_space<vmem>>) semaphore(%arg36 : memref<!tpu.dma_semaphore, #tpu.memory_space<semaphore_mem>>) {add = true}
    %dma_start3A_83 = arith.constant 0 : i32
    %dma_start3A_84 = tpu.memref_slice %arg32[%dma_start3A_83] : memref<50176xf32, #tpu.memory_space<vmem_shared>> -> memref<50176xf32, #tpu.memory_space<vmem_shared>>
    tpu.enqueue_indirect_dma source(%arg20 : memref<512xf32, #tpu.memory_space<vmem>>) target(%dma_start3A_84 : memref<50176xf32, #tpu.memory_space<vmem_shared>>) offsets(%arg17 : memref<512xi32, #tpu.memory_space<vmem>>) semaphore(%arg36 : memref<!tpu.dma_semaphore, #tpu.memory_space<semaphore_mem>>) {add = true}
    %dma_start3A_85 = arith.constant 0 : i32
    %dma_start3A_86 = tpu.memref_slice %arg31[%dma_start3A_85] : memref<50176xf32, #tpu.memory_space<vmem_shared>> -> memref<50176xf32, #tpu.memory_space<vmem_shared>>
    tpu.enqueue_indirect_dma source(%arg21 : memref<512xf32, #tpu.memory_space<vmem>>) target(%dma_start3A_86 : memref<50176xf32, #tpu.memory_space<vmem_shared>>) offsets(%arg18 : memref<512xi32, #tpu.memory_space<vmem>>) semaphore(%arg36 : memref<!tpu.dma_semaphore, #tpu.memory_space<semaphore_mem>>) {add = true}
    %dma_start3A_87 = arith.constant 0 : i32
    %dma_start3A_88 = tpu.memref_slice %arg32[%dma_start3A_87] : memref<50176xf32, #tpu.memory_space<vmem_shared>> -> memref<50176xf32, #tpu.memory_space<vmem_shared>>
    tpu.enqueue_indirect_dma source(%arg22 : memref<512xf32, #tpu.memory_space<vmem>>) target(%dma_start3A_88 : memref<50176xf32, #tpu.memory_space<vmem_shared>>) offsets(%arg18 : memref<512xi32, #tpu.memory_space<vmem>>) semaphore(%arg36 : memref<!tpu.dma_semaphore, #tpu.memory_space<semaphore_mem>>) {add = true}
    %add3A_89 = arith.constant 96 : i32
    %add3A_90 = arith.constant 2 : i32
    %add3A_91 = arith.addi %add3A_89, %add3A_90 : i32
    %lt3A = arith.constant 97 : i32
    %lt3A_92 = arith.cmpi slt, %add3A_91, %lt3A : i32
    %convert_element_type3A_93 = arith.extui %lt3A_92 : i1 to i32
    %cond3A_94 = arith.constant 96 : i32
    %cond3A_95 = arith.constant 0 : i32
    %cond3A_96 = arith.cmpi ne, %convert_element_type3A_93, %cond3A_95 : i32
    scf.if %cond3A_96 {
      %add3A_128 = arith.addi %mul3A_4, %cond3A_94 : i32
      %add3A_129 = arith.constant 2 : i32
      %add3A_130 = arith.addi %add3A_128, %add3A_129 : i32
      %mul3A_131 = arith.constant 8 : i32
      %mul3A_132 = arith.muli %add3A_130, %mul3A_131 : i32
      %mul3A_133 = arith.constant 8 : i32
      %mul3A_134 = arith.muli %add3A_130, %mul3A_133 : i32
      %dma_start3A_135 = arith.constant 0 : i32
      %dma_start3A_136 = tpu.memref_slice %arg2[%mul3A_132, %dma_start3A_135] : memref<25000x128xi32, #tpu.memory_space<hbm>> -> memref<8x128xi32, #tpu.memory_space<hbm>>
      %dma_start3A_137 = arith.constant 0 : i32
      %dma_start3A_138 = tpu.memref_slice %arg2[%mul3A_132, %dma_start3A_137] : memref<25000x128xi32, #tpu.memory_space<hbm>> -> memref<8x128xi32, #tpu.memory_space<hbm>>
      tpu.enqueue_dma source(%dma_start3A_138 : memref<8x128xi32, #tpu.memory_space<hbm>>) target(%arg13 : memref<8x128xi32, #tpu.memory_space<vmem>>) target_semaphore(%arg34 : memref<!tpu.dma_semaphore, #tpu.memory_space<semaphore_mem>>)
      %dma_start3A_139 = arith.constant 0 : i32
      %dma_start3A_140 = tpu.memref_slice %arg3[%mul3A_134, %dma_start3A_139] : memref<25000x128xf32, #tpu.memory_space<hbm>> -> memref<8x128xf32, #tpu.memory_space<hbm>>
      %dma_start3A_141 = arith.constant 0 : i32
      %dma_start3A_142 = tpu.memref_slice %arg3[%mul3A_134, %dma_start3A_141] : memref<25000x128xf32, #tpu.memory_space<hbm>> -> memref<8x128xf32, #tpu.memory_space<hbm>>
      tpu.enqueue_dma source(%dma_start3A_142 : memref<8x128xf32, #tpu.memory_space<hbm>>) target(%arg14 : memref<8x128xf32, #tpu.memory_space<vmem>>) target_semaphore(%arg34 : memref<!tpu.dma_semaphore, #tpu.memory_space<semaphore_mem>>)
    } else {
    }
    %dma_wait3A_97 = arith.constant 0 : i32
    %dma_wait3A_98 = tpu.memref_slice %arg31[%dma_wait3A_97] : memref<50176xf32, #tpu.memory_space<vmem_shared>> -> memref<50176xf32, #tpu.memory_space<vmem_shared>>
    tpu.wait_indirect_dma semaphore(%arg36 : memref<!tpu.dma_semaphore, #tpu.memory_space<semaphore_mem>>) src(%arg19 : memref<512xf32, #tpu.memory_space<vmem>>) dst(%dma_wait3A_98 : memref<50176xf32, #tpu.memory_space<vmem_shared>>)
    %dma_wait3A_99 = arith.constant 0 : i32
    %dma_wait3A_100 = tpu.memref_slice %arg32[%dma_wait3A_99] : memref<50176xf32, #tpu.memory_space<vmem_shared>> -> memref<50176xf32, #tpu.memory_space<vmem_shared>>
    tpu.wait_indirect_dma semaphore(%arg36 : memref<!tpu.dma_semaphore, #tpu.memory_space<semaphore_mem>>) src(%arg20 : memref<512xf32, #tpu.memory_space<vmem>>) dst(%dma_wait3A_100 : memref<50176xf32, #tpu.memory_space<vmem_shared>>)
    %dma_wait3A_101 = arith.constant 0 : i32
    %dma_wait3A_102 = tpu.memref_slice %arg31[%dma_wait3A_101] : memref<50176xf32, #tpu.memory_space<vmem_shared>> -> memref<50176xf32, #tpu.memory_space<vmem_shared>>
    tpu.wait_indirect_dma semaphore(%arg36 : memref<!tpu.dma_semaphore, #tpu.memory_space<semaphore_mem>>) src(%arg21 : memref<512xf32, #tpu.memory_space<vmem>>) dst(%dma_wait3A_102 : memref<50176xf32, #tpu.memory_space<vmem_shared>>)
    %dma_wait3A_103 = arith.constant 0 : i32
    %dma_wait3A_104 = tpu.memref_slice %arg32[%dma_wait3A_103] : memref<50176xf32, #tpu.memory_space<vmem_shared>> -> memref<50176xf32, #tpu.memory_space<vmem_shared>>
    tpu.wait_indirect_dma semaphore(%arg36 : memref<!tpu.dma_semaphore, #tpu.memory_space<semaphore_mem>>) src(%arg22 : memref<512xf32, #tpu.memory_space<vmem>>) dst(%dma_wait3A_104 : memref<50176xf32, #tpu.memory_space<vmem_shared>>)
    %dma_wait3A_105 = arith.constant 0 : i32
    %dma_wait3A_106 = tpu.memref_slice %arg31[%dma_wait3A_105] : memref<50176xf32, #tpu.memory_space<vmem_shared>> -> memref<50176xf32, #tpu.memory_space<vmem_shared>>
    tpu.wait_indirect_dma semaphore(%arg37 : memref<!tpu.dma_semaphore, #tpu.memory_space<semaphore_mem>>) src(%arg25 : memref<512xf32, #tpu.memory_space<vmem>>) dst(%dma_wait3A_106 : memref<50176xf32, #tpu.memory_space<vmem_shared>>)
    %dma_wait3A_107 = arith.constant 0 : i32
    %dma_wait3A_108 = tpu.memref_slice %arg32[%dma_wait3A_107] : memref<50176xf32, #tpu.memory_space<vmem_shared>> -> memref<50176xf32, #tpu.memory_space<vmem_shared>>
    tpu.wait_indirect_dma semaphore(%arg37 : memref<!tpu.dma_semaphore, #tpu.memory_space<semaphore_mem>>) src(%arg26 : memref<512xf32, #tpu.memory_space<vmem>>) dst(%dma_wait3A_108 : memref<50176xf32, #tpu.memory_space<vmem_shared>>)
    %dma_wait3A_109 = arith.constant 0 : i32
    %dma_wait3A_110 = tpu.memref_slice %arg31[%dma_wait3A_109] : memref<50176xf32, #tpu.memory_space<vmem_shared>> -> memref<50176xf32, #tpu.memory_space<vmem_shared>>
    tpu.wait_indirect_dma semaphore(%arg37 : memref<!tpu.dma_semaphore, #tpu.memory_space<semaphore_mem>>) src(%arg27 : memref<512xf32, #tpu.memory_space<vmem>>) dst(%dma_wait3A_110 : memref<50176xf32, #tpu.memory_space<vmem_shared>>)
    %dma_wait3A_111 = arith.constant 0 : i32
    %dma_wait3A_112 = tpu.memref_slice %arg32[%dma_wait3A_111] : memref<50176xf32, #tpu.memory_space<vmem_shared>> -> memref<50176xf32, #tpu.memory_space<vmem_shared>>
    tpu.wait_indirect_dma semaphore(%arg37 : memref<!tpu.dma_semaphore, #tpu.memory_space<semaphore_mem>>) src(%arg28 : memref<512xf32, #tpu.memory_space<vmem>>) dst(%dma_wait3A_112 : memref<50176xf32, #tpu.memory_space<vmem_shared>>)
    %lt3A_113 = arith.constant 21 : i32
    %lt3A_114 = arith.cmpi slt, %add3A, %lt3A_113 : i32
    %convert_element_type3A_115 = arith.extui %lt3A_114 : i1 to i32
    %cond3A_116 = arith.constant 0 : i32
    %cond3A_117 = arith.cmpi ne, %convert_element_type3A_115, %cond3A_116 : i32
    scf.if %cond3A_117 {
      %add3A_128 = arith.constant 3104 : i32
      %add3A_129 = arith.addi %add3A_128, %add3A : i32
      %mul3A_130 = arith.constant 8 : i32
      %mul3A_131 = arith.muli %add3A_129, %mul3A_130 : i32
      %mul3A_132 = arith.constant 8 : i32
      %mul3A_133 = arith.muli %add3A_129, %mul3A_132 : i32
      %dma_start3A_134 = arith.constant 0 : i32
      %dma_start3A_135 = tpu.memref_slice %arg2[%mul3A_131, %dma_start3A_134] : memref<25000x128xi32, #tpu.memory_space<hbm>> -> memref<8x128xi32, #tpu.memory_space<hbm>>
      %dma_start3A_136 = arith.constant 0 : i32
      %dma_start3A_137 = tpu.memref_slice %arg2[%mul3A_131, %dma_start3A_136] : memref<25000x128xi32, #tpu.memory_space<hbm>> -> memref<8x128xi32, #tpu.memory_space<hbm>>
      tpu.enqueue_dma source(%dma_start3A_137 : memref<8x128xi32, #tpu.memory_space<hbm>>) target(%arg13 : memref<8x128xi32, #tpu.memory_space<vmem>>) target_semaphore(%arg34 : memref<!tpu.dma_semaphore, #tpu.memory_space<semaphore_mem>>)
      %dma_start3A_138 = arith.constant 0 : i32
      %dma_start3A_139 = tpu.memref_slice %arg3[%mul3A_133, %dma_start3A_138] : memref<25000x128xf32, #tpu.memory_space<hbm>> -> memref<8x128xf32, #tpu.memory_space<hbm>>
      %dma_start3A_140 = arith.constant 0 : i32
      %dma_start3A_141 = tpu.memref_slice %arg3[%mul3A_133, %dma_start3A_140] : memref<25000x128xf32, #tpu.memory_space<hbm>> -> memref<8x128xf32, #tpu.memory_space<hbm>>
      tpu.enqueue_dma source(%dma_start3A_141 : memref<8x128xf32, #tpu.memory_space<hbm>>) target(%arg14 : memref<8x128xf32, #tpu.memory_space<vmem>>) target_semaphore(%arg34 : memref<!tpu.dma_semaphore, #tpu.memory_space<semaphore_mem>>)
      %mul3A_142 = arith.constant 8 : i32
      %mul3A_143 = arith.muli %add3A_129, %mul3A_142 : i32
      %mul3A_144 = arith.constant 8 : i32
      %mul3A_145 = arith.muli %add3A_129, %mul3A_144 : i32
      %dma_wait3A_146 = arith.constant 0 : i32
      %dma_wait3A_147 = tpu.memref_slice %arg2[%mul3A_143, %dma_wait3A_146] : memref<25000x128xi32, #tpu.memory_space<hbm>> -> memref<8x128xi32, #tpu.memory_space<hbm>>
      %dma_wait3A_148 = arith.constant 0 : i32
      %dma_wait3A_149 = tpu.memref_slice %arg2[%mul3A_143, %dma_wait3A_148] : memref<25000x128xi32, #tpu.memory_space<hbm>> -> memref<8x128xi32, #tpu.memory_space<hbm>>
      tpu.wait_dma2 semaphore(%arg34 : memref<!tpu.dma_semaphore, #tpu.memory_space<semaphore_mem>>) src(%dma_wait3A_149 : memref<8x128xi32, #tpu.memory_space<hbm>>) dst(%arg13 : memref<8x128xi32, #tpu.memory_space<vmem>>)
      %dma_wait3A_150 = arith.constant 0 : i32
      %dma_wait3A_151 = tpu.memref_slice %arg3[%mul3A_145, %dma_wait3A_150] : memref<25000x128xf32, #tpu.memory_space<hbm>> -> memref<8x128xf32, #tpu.memory_space<hbm>>
      %dma_wait3A_152 = arith.constant 0 : i32
      %dma_wait3A_153 = tpu.memref_slice %arg3[%mul3A_145, %dma_wait3A_152] : memref<25000x128xf32, #tpu.memory_space<hbm>> -> memref<8x128xf32, #tpu.memory_space<hbm>>
      tpu.wait_dma2 semaphore(%arg34 : memref<!tpu.dma_semaphore, #tpu.memory_space<semaphore_mem>>) src(%dma_wait3A_153 : memref<8x128xf32, #tpu.memory_space<hbm>>) dst(%arg14 : memref<8x128xf32, #tpu.memory_space<vmem>>)
      %parallel_loop3A_154 = arith.constant 0 : i32
      %parallel_loop3A_155 = arith.constant 32 : i32
      %parallel_loop3A_156 = arith.constant 1 : i32
      scf.for %parallel_loop3A_173 = %parallel_loop3A_154 to %parallel_loop3A_155 step %parallel_loop3A_156  : i32 {
        %parallel_loop3A_174 = arith.constant 8 : i32
        %parallel_loop3A_175 = arith.divsi %parallel_loop3A_173, %parallel_loop3A_174 : i32
        %parallel_loop3A_176 = arith.constant 0 : i32
        %parallel_loop3A_177 = arith.cmpi sgt, %parallel_loop3A_173, %parallel_loop3A_176 : i32
        %parallel_loop3A_178 = arith.extui %parallel_loop3A_177 : i1 to i32
        %parallel_loop3A_179 = arith.constant 0 : i32
        %parallel_loop3A_180 = arith.cmpi slt, %parallel_loop3A_173, %parallel_loop3A_179 : i32
        %parallel_loop3A_181 = arith.extui %parallel_loop3A_180 : i1 to i32
        %parallel_loop3A_182 = arith.subi %parallel_loop3A_178, %parallel_loop3A_181 : i32
        %parallel_loop3A_183 = arith.constant 0 : i32
        %parallel_loop3A_184 = arith.cmpi sgt, %parallel_loop3A_174, %parallel_loop3A_183 : i32
        %parallel_loop3A_185 = arith.extui %parallel_loop3A_184 : i1 to i32
        %parallel_loop3A_186 = arith.constant 0 : i32
        %parallel_loop3A_187 = arith.cmpi slt, %parallel_loop3A_174, %parallel_loop3A_186 : i32
        %parallel_loop3A_188 = arith.extui %parallel_loop3A_187 : i1 to i32
        %parallel_loop3A_189 = arith.subi %parallel_loop3A_185, %parallel_loop3A_188 : i32
        %parallel_loop3A_190 = arith.cmpi ne, %parallel_loop3A_182, %parallel_loop3A_189 : i32
        %parallel_loop3A_191 = arith.remsi %parallel_loop3A_173, %parallel_loop3A_174 : i32
        %parallel_loop3A_192 = arith.constant 0 : i32
        %parallel_loop3A_193 = arith.cmpi ne, %parallel_loop3A_191, %parallel_loop3A_192 : i32
        %parallel_loop3A_194 = arith.andi %parallel_loop3A_190, %parallel_loop3A_193 : i1
        %parallel_loop3A_195 = arith.constant 1 : i32
        %parallel_loop3A_196 = arith.subi %parallel_loop3A_175, %parallel_loop3A_195 : i32
        %parallel_loop3A_197 = arith.select %parallel_loop3A_194, %parallel_loop3A_196, %parallel_loop3A_175 : i32
        %parallel_loop3A_198 = arith.constant 2 : i32
        %parallel_loop3A_199 = arith.muli %parallel_loop3A_198, %parallel_loop3A_197 : i32
        %parallel_loop3A_200 = arith.constant 8 : i32
        %parallel_loop3A_201 = arith.constant 0 : i32
        %parallel_loop3A_202 = arith.cmpi eq, %parallel_loop3A_200, %parallel_loop3A_201 : i32
        %parallel_loop3A_203 = arith.constant 1 : i32
        %parallel_loop3A_204 = arith.select %parallel_loop3A_202, %parallel_loop3A_203, %parallel_loop3A_200 : i32
        %parallel_loop3A_205 = arith.remsi %parallel_loop3A_173, %parallel_loop3A_204 : i32
        %parallel_loop3A_206 = arith.constant 0 : i32
        %parallel_loop3A_207 = arith.cmpi ne, %parallel_loop3A_205, %parallel_loop3A_206 : i32
        %parallel_loop3A_208 = arith.constant 0 : i32
        %parallel_loop3A_209 = arith.cmpi slt, %parallel_loop3A_205, %parallel_loop3A_208 : i32
        %parallel_loop3A_210 = arith.constant 0 : i32
        %parallel_loop3A_211 = arith.cmpi slt, %parallel_loop3A_204, %parallel_loop3A_210 : i32
        %parallel_loop3A_212 = arith.xori %parallel_loop3A_209, %parallel_loop3A_211 : i1
        %parallel_loop3A_213 = arith.andi %parallel_loop3A_212, %parallel_loop3A_207 : i1
        %parallel_loop3A_214 = arith.addi %parallel_loop3A_205, %parallel_loop3A_204 : i32
        %parallel_loop3A_215 = arith.select %parallel_loop3A_213, %parallel_loop3A_214, %parallel_loop3A_205 : i32
        %parallel_loop3A_216 = arith.constant 16 : i32
        %parallel_loop3A_217 = arith.muli %parallel_loop3A_215, %parallel_loop3A_216 : i32
        %parallel_loop3A_218 = arith.index_cast %parallel_loop3A_199 : i32 to index
        %parallel_loop3A_219 = arith.index_cast %parallel_loop3A_217 : i32 to index
        %parallel_loop3A_220 = tpu.vector_load %arg13[%parallel_loop3A_218, %parallel_loop3A_219] {strides = array<i32>} : memref<8x128xi32, #tpu.memory_space<vmem>>, vector<16xi32>,
        %parallel_loop3A_221 = arith.constant 1 : i32
        %parallel_loop3A_222 = arith.addi %parallel_loop3A_199, %parallel_loop3A_221 : i32
        %parallel_loop3A_223 = arith.index_cast %parallel_loop3A_222 : i32 to index
        %parallel_loop3A_224 = arith.index_cast %parallel_loop3A_217 : i32 to index
        %parallel_loop3A_225 = tpu.vector_load %arg13[%parallel_loop3A_223, %parallel_loop3A_224] {strides = array<i32>} : memref<8x128xi32, #tpu.memory_space<vmem>>, vector<16xi32>,
        %parallel_loop3A_226 = arith.index_cast %parallel_loop3A_199 : i32 to index
        %parallel_loop3A_227 = arith.index_cast %parallel_loop3A_217 : i32 to index
        %parallel_loop3A_228 = tpu.vector_load %arg14[%parallel_loop3A_226, %parallel_loop3A_227] {strides = array<i32>} : memref<8x128xf32, #tpu.memory_space<vmem>>, vector<16xf32>,
        %parallel_loop3A_229 = arith.constant 1 : i32
        %parallel_loop3A_230 = arith.addi %parallel_loop3A_199, %parallel_loop3A_229 : i32
        %parallel_loop3A_231 = arith.index_cast %parallel_loop3A_230 : i32 to index
        %parallel_loop3A_232 = arith.index_cast %parallel_loop3A_217 : i32 to index
        %parallel_loop3A_233 = tpu.vector_load %arg14[%parallel_loop3A_231, %parallel_loop3A_232] {strides = array<i32>} : memref<8x128xf32, #tpu.memory_space<vmem>>, vector<16xf32>,
        %parallel_loop3A_234 = tpu.vector_load_idx %arg11[%parallel_loop3A_220] : memref<50176xf32, #tpu.memory_space<vmem>>[vector<16xi32>], vector<16xf32>,
        %parallel_loop3A_235 = tpu.vector_load_idx %arg12[%parallel_loop3A_220] : memref<50176xf32, #tpu.memory_space<vmem>>[vector<16xi32>], vector<16xf32>,
        %parallel_loop3A_236 = tpu.vector_load_idx %arg11[%parallel_loop3A_225] : memref<50176xf32, #tpu.memory_space<vmem>>[vector<16xi32>], vector<16xf32>,
        %parallel_loop3A_237 = tpu.vector_load_idx %arg12[%parallel_loop3A_225] : memref<50176xf32, #tpu.memory_space<vmem>>[vector<16xi32>], vector<16xf32>,
        %parallel_loop3A_238 = arith.subf %parallel_loop3A_234, %parallel_loop3A_236 : vector<16xf32>
        %parallel_loop3A_239 = arith.subf %parallel_loop3A_235, %parallel_loop3A_237 : vector<16xf32>
        %parallel_loop3A_240 = arith.mulf %parallel_loop3A_228, %parallel_loop3A_238 : vector<16xf32>
        %parallel_loop3A_241 = arith.mulf %parallel_loop3A_233, %parallel_loop3A_239 : vector<16xf32>
        %parallel_loop3A_242 = arith.subf %parallel_loop3A_240, %parallel_loop3A_241 : vector<16xf32>
        %parallel_loop3A_243 = arith.mulf %parallel_loop3A_228, %parallel_loop3A_239 : vector<16xf32>
        %parallel_loop3A_244 = arith.mulf %parallel_loop3A_233, %parallel_loop3A_238 : vector<16xf32>
        %parallel_loop3A_245 = arith.addf %parallel_loop3A_243, %parallel_loop3A_244 : vector<16xf32>
        %parallel_loop3A_246 = arith.constant 16 : i32
        %parallel_loop3A_247 = arith.muli %parallel_loop3A_173, %parallel_loop3A_246 : i32
        %parallel_loop3A_248 = arith.index_cast %parallel_loop3A_247 : i32 to index
        %parallel_loop3A_249 = tpu.vector_load %arg17[%parallel_loop3A_248] {strides = array<i32>} : memref<512xi32, #tpu.memory_space<vmem>>, vector<16xi32>,
        tpu.vector_store %arg17[%parallel_loop3A_248], %parallel_loop3A_220 {strides = array<i32>} : memref<512xi32, #tpu.memory_space<vmem>>, vector<16xi32>,
        %parallel_loop3A_250 = arith.index_cast %parallel_loop3A_247 : i32 to index
        %parallel_loop3A_251 = tpu.vector_load %arg18[%parallel_loop3A_250] {strides = array<i32>} : memref<512xi32, #tpu.memory_space<vmem>>, vector<16xi32>,
        tpu.vector_store %arg18[%parallel_loop3A_250], %parallel_loop3A_225 {strides = array<i32>} : memref<512xi32, #tpu.memory_space<vmem>>, vector<16xi32>,
        %parallel_loop3A_252 = arith.index_cast %parallel_loop3A_247 : i32 to index
        %parallel_loop3A_253 = tpu.vector_load %arg19[%parallel_loop3A_252] {strides = array<i32>} : memref<512xf32, #tpu.memory_space<vmem>>, vector<16xf32>,
        tpu.vector_store %arg19[%parallel_loop3A_252], %parallel_loop3A_242 {strides = array<i32>} : memref<512xf32, #tpu.memory_space<vmem>>, vector<16xf32>,
        %parallel_loop3A_254 = arith.index_cast %parallel_loop3A_247 : i32 to index
        %parallel_loop3A_255 = tpu.vector_load %arg20[%parallel_loop3A_254] {strides = array<i32>} : memref<512xf32, #tpu.memory_space<vmem>>, vector<16xf32>,
        tpu.vector_store %arg20[%parallel_loop3A_254], %parallel_loop3A_245 {strides = array<i32>} : memref<512xf32, #tpu.memory_space<vmem>>, vector<16xf32>,
        %parallel_loop3A_256 = arith.constant 0.000000e+00 : f32
        %parallel_loop3A_257 = vector.broadcast %parallel_loop3A_256 : f32 to vector<16xf32>
        %parallel_loop3A_258 = arith.subf %parallel_loop3A_257, %parallel_loop3A_242 : vector<16xf32>
        %parallel_loop3A_259 = arith.index_cast %parallel_loop3A_247 : i32 to index
        %parallel_loop3A_260 = tpu.vector_load %arg21[%parallel_loop3A_259] {strides = array<i32>} : memref<512xf32, #tpu.memory_space<vmem>>, vector<16xf32>,
        tpu.vector_store %arg21[%parallel_loop3A_259], %parallel_loop3A_258 {strides = array<i32>} : memref<512xf32, #tpu.memory_space<vmem>>, vector<16xf32>,
        %parallel_loop3A_261 = arith.constant 0.000000e+00 : f32
        %parallel_loop3A_262 = vector.broadcast %parallel_loop3A_261 : f32 to vector<16xf32>
        %parallel_loop3A_263 = arith.subf %parallel_loop3A_262, %parallel_loop3A_245 : vector<16xf32>
        %parallel_loop3A_264 = arith.index_cast %parallel_loop3A_247 : i32 to index
        %parallel_loop3A_265 = tpu.vector_load %arg22[%parallel_loop3A_264] {strides = array<i32>} : memref<512xf32, #tpu.memory_space<vmem>>, vector<16xf32>,
        tpu.vector_store %arg22[%parallel_loop3A_264], %parallel_loop3A_263 {strides = array<i32>} : memref<512xf32, #tpu.memory_space<vmem>>, vector<16xf32>,
      } {sc.loop_unroll_factor = 1 : i64, sc.parallel_access}
      %dma_start3A_157 = arith.constant 0 : i32
      %dma_start3A_158 = tpu.memref_slice %arg31[%dma_start3A_157] : memref<50176xf32, #tpu.memory_space<vmem_shared>> -> memref<50176xf32, #tpu.memory_space<vmem_shared>>
      tpu.enqueue_indirect_dma source(%arg19 : memref<512xf32, #tpu.memory_space<vmem>>) target(%dma_start3A_158 : memref<50176xf32, #tpu.memory_space<vmem_shared>>) offsets(%arg17 : memref<512xi32, #tpu.memory_space<vmem>>) semaphore(%arg36 : memref<!tpu.dma_semaphore, #tpu.memory_space<semaphore_mem>>) {add = true}
      %dma_start3A_159 = arith.constant 0 : i32
      %dma_start3A_160 = tpu.memref_slice %arg32[%dma_start3A_159] : memref<50176xf32, #tpu.memory_space<vmem_shared>> -> memref<50176xf32, #tpu.memory_space<vmem_shared>>
      tpu.enqueue_indirect_dma source(%arg20 : memref<512xf32, #tpu.memory_space<vmem>>) target(%dma_start3A_160 : memref<50176xf32, #tpu.memory_space<vmem_shared>>) offsets(%arg17 : memref<512xi32, #tpu.memory_space<vmem>>) semaphore(%arg36 : memref<!tpu.dma_semaphore, #tpu.memory_space<semaphore_mem>>) {add = true}
      %dma_start3A_161 = arith.constant 0 : i32
      %dma_start3A_162 = tpu.memref_slice %arg31[%dma_start3A_161] : memref<50176xf32, #tpu.memory_space<vmem_shared>> -> memref<50176xf32, #tpu.memory_space<vmem_shared>>
      tpu.enqueue_indirect_dma source(%arg21 : memref<512xf32, #tpu.memory_space<vmem>>) target(%dma_start3A_162 : memref<50176xf32, #tpu.memory_space<vmem_shared>>) offsets(%arg18 : memref<512xi32, #tpu.memory_space<vmem>>) semaphore(%arg36 : memref<!tpu.dma_semaphore, #tpu.memory_space<semaphore_mem>>) {add = true}
      %dma_start3A_163 = arith.constant 0 : i32
      %dma_start3A_164 = tpu.memref_slice %arg32[%dma_start3A_163] : memref<50176xf32, #tpu.memory_space<vmem_shared>> -> memref<50176xf32, #tpu.memory_space<vmem_shared>>
      tpu.enqueue_indirect_dma source(%arg22 : memref<512xf32, #tpu.memory_space<vmem>>) target(%dma_start3A_164 : memref<50176xf32, #tpu.memory_space<vmem_shared>>) offsets(%arg18 : memref<512xi32, #tpu.memory_space<vmem>>) semaphore(%arg36 : memref<!tpu.dma_semaphore, #tpu.memory_space<semaphore_mem>>) {add = true}
      %dma_wait3A_165 = arith.constant 0 : i32
      %dma_wait3A_166 = tpu.memref_slice %arg31[%dma_wait3A_165] : memref<50176xf32, #tpu.memory_space<vmem_shared>> -> memref<50176xf32, #tpu.memory_space<vmem_shared>>
      tpu.wait_indirect_dma semaphore(%arg36 : memref<!tpu.dma_semaphore, #tpu.memory_space<semaphore_mem>>) src(%arg19 : memref<512xf32, #tpu.memory_space<vmem>>) dst(%dma_wait3A_166 : memref<50176xf32, #tpu.memory_space<vmem_shared>>)
      %dma_wait3A_167 = arith.constant 0 : i32
      %dma_wait3A_168 = tpu.memref_slice %arg32[%dma_wait3A_167] : memref<50176xf32, #tpu.memory_space<vmem_shared>> -> memref<50176xf32, #tpu.memory_space<vmem_shared>>
      tpu.wait_indirect_dma semaphore(%arg36 : memref<!tpu.dma_semaphore, #tpu.memory_space<semaphore_mem>>) src(%arg20 : memref<512xf32, #tpu.memory_space<vmem>>) dst(%dma_wait3A_168 : memref<50176xf32, #tpu.memory_space<vmem_shared>>)
      %dma_wait3A_169 = arith.constant 0 : i32
      %dma_wait3A_170 = tpu.memref_slice %arg31[%dma_wait3A_169] : memref<50176xf32, #tpu.memory_space<vmem_shared>> -> memref<50176xf32, #tpu.memory_space<vmem_shared>>
      tpu.wait_indirect_dma semaphore(%arg36 : memref<!tpu.dma_semaphore, #tpu.memory_space<semaphore_mem>>) src(%arg21 : memref<512xf32, #tpu.memory_space<vmem>>) dst(%dma_wait3A_170 : memref<50176xf32, #tpu.memory_space<vmem_shared>>)
      %dma_wait3A_171 = arith.constant 0 : i32
      %dma_wait3A_172 = tpu.memref_slice %arg32[%dma_wait3A_171] : memref<50176xf32, #tpu.memory_space<vmem_shared>> -> memref<50176xf32, #tpu.memory_space<vmem_shared>>
      tpu.wait_indirect_dma semaphore(%arg36 : memref<!tpu.dma_semaphore, #tpu.memory_space<semaphore_mem>>) src(%arg22 : memref<512xf32, #tpu.memory_space<vmem>>) dst(%dma_wait3A_172 : memref<50176xf32, #tpu.memory_space<vmem_shared>>)
    } else {
    }
    %barrier3A_118 = arith.constant 0 : index
    tpu.barrier barrier_id(%barrier3A_118)
    "tpu.region"() ({
      %run_scoped3A = tpu.sem_alloc : memref<!tpu.dma_semaphore, #tpu.memory_space<semaphore_mem>>
      %dma_start3A_128 = tpu.memref_slice %arg31[%mul3A_2] : memref<50176xf32, #tpu.memory_space<vmem_shared>> -> memref<3136xf32, #tpu.memory_space<vmem_shared>>
      %dma_start3A_129 = tpu.memref_slice %arg31[%mul3A_2] : memref<50176xf32, #tpu.memory_space<vmem_shared>> -> memref<3136xf32, #tpu.memory_space<vmem_shared>>
      tpu.enqueue_dma source(%dma_start3A_129 : memref<3136xf32, #tpu.memory_space<vmem_shared>>) target(%arg29 : memref<3136xf32, #tpu.memory_space<vmem>>) target_semaphore(%run_scoped3A : memref<!tpu.dma_semaphore, #tpu.memory_space<semaphore_mem>>)
      %dma_wait3A_130 = tpu.memref_slice %arg31[%mul3A_2] : memref<50176xf32, #tpu.memory_space<vmem_shared>> -> memref<3136xf32, #tpu.memory_space<vmem_shared>>
      %dma_wait3A_131 = tpu.memref_slice %arg31[%mul3A_2] : memref<50176xf32, #tpu.memory_space<vmem_shared>> -> memref<3136xf32, #tpu.memory_space<vmem_shared>>
      tpu.wait_dma2 semaphore(%run_scoped3A : memref<!tpu.dma_semaphore, #tpu.memory_space<semaphore_mem>>) src(%dma_wait3A_131 : memref<3136xf32, #tpu.memory_space<vmem_shared>>) dst(%arg29 : memref<3136xf32, #tpu.memory_space<vmem>>)
      tpu.yield
    }) : () -> ()
    "tpu.region"() ({
      %run_scoped3A = tpu.sem_alloc : memref<!tpu.dma_semaphore, #tpu.memory_space<semaphore_mem>>
      %dma_start3A_128 = tpu.memref_slice %arg32[%mul3A_2] : memref<50176xf32, #tpu.memory_space<vmem_shared>> -> memref<3136xf32, #tpu.memory_space<vmem_shared>>
      %dma_start3A_129 = tpu.memref_slice %arg32[%mul3A_2] : memref<50176xf32, #tpu.memory_space<vmem_shared>> -> memref<3136xf32, #tpu.memory_space<vmem_shared>>
      tpu.enqueue_dma source(%dma_start3A_129 : memref<3136xf32, #tpu.memory_space<vmem_shared>>) target(%arg30 : memref<3136xf32, #tpu.memory_space<vmem>>) target_semaphore(%run_scoped3A : memref<!tpu.dma_semaphore, #tpu.memory_space<semaphore_mem>>)
      %dma_wait3A_130 = tpu.memref_slice %arg32[%mul3A_2] : memref<50176xf32, #tpu.memory_space<vmem_shared>> -> memref<3136xf32, #tpu.memory_space<vmem_shared>>
      %dma_wait3A_131 = tpu.memref_slice %arg32[%mul3A_2] : memref<50176xf32, #tpu.memory_space<vmem_shared>> -> memref<3136xf32, #tpu.memory_space<vmem_shared>>
      tpu.wait_dma2 semaphore(%run_scoped3A : memref<!tpu.dma_semaphore, #tpu.memory_space<semaphore_mem>>) src(%dma_wait3A_131 : memref<3136xf32, #tpu.memory_space<vmem_shared>>) dst(%arg30 : memref<3136xf32, #tpu.memory_space<vmem>>)
      tpu.yield
    }) : () -> ()
    %eq3A = arith.constant 0 : i32
    %eq3A_119 = arith.cmpi eq, %arg0, %eq3A : i32
    %convert_element_type3A_120 = arith.extui %eq3A_119 : i1 to i32
    %cond3A_121 = arith.constant 0 : i32
    %cond3A_122 = arith.cmpi ne, %convert_element_type3A_120, %cond3A_121 : i32
    scf.if %cond3A_122 {
      "tpu.region"() ({
        %run_scoped3A = tpu.sem_alloc : memref<!tpu.dma_semaphore, #tpu.memory_space<semaphore_mem>>
        %dma_start3A_128 = tpu.memref_slice %arg7[%mul3A_2] : memref<50176xf32, #tpu.memory_space<hbm>> -> memref<3136xf32, #tpu.memory_space<hbm>>
        %dma_start3A_129 = tpu.memref_slice %arg7[%mul3A_2] : memref<50176xf32, #tpu.memory_space<hbm>> -> memref<3136xf32, #tpu.memory_space<hbm>>
        tpu.enqueue_dma source(%arg29 : memref<3136xf32, #tpu.memory_space<vmem>>) target(%dma_start3A_129 : memref<3136xf32, #tpu.memory_space<hbm>>) target_semaphore(%run_scoped3A : memref<!tpu.dma_semaphore, #tpu.memory_space<semaphore_mem>>)
        %dma_wait3A_130 = tpu.memref_slice %arg7[%mul3A_2] : memref<50176xf32, #tpu.memory_space<hbm>> -> memref<3136xf32, #tpu.memory_space<hbm>>
        %dma_wait3A_131 = tpu.memref_slice %arg7[%mul3A_2] : memref<50176xf32, #tpu.memory_space<hbm>> -> memref<3136xf32, #tpu.memory_space<hbm>>
        tpu.wait_dma2 semaphore(%run_scoped3A : memref<!tpu.dma_semaphore, #tpu.memory_space<semaphore_mem>>) src(%arg29 : memref<3136xf32, #tpu.memory_space<vmem>>) dst(%dma_wait3A_131 : memref<3136xf32, #tpu.memory_space<hbm>>)
        tpu.yield
      }) : () -> ()
      "tpu.region"() ({
        %run_scoped3A = tpu.sem_alloc : memref<!tpu.dma_semaphore, #tpu.memory_space<semaphore_mem>>
        %dma_start3A_128 = tpu.memref_slice %arg8[%mul3A_2] : memref<50176xf32, #tpu.memory_space<hbm>> -> memref<3136xf32, #tpu.memory_space<hbm>>
        %dma_start3A_129 = tpu.memref_slice %arg8[%mul3A_2] : memref<50176xf32, #tpu.memory_space<hbm>> -> memref<3136xf32, #tpu.memory_space<hbm>>
        tpu.enqueue_dma source(%arg30 : memref<3136xf32, #tpu.memory_space<vmem>>) target(%dma_start3A_129 : memref<3136xf32, #tpu.memory_space<hbm>>) target_semaphore(%run_scoped3A : memref<!tpu.dma_semaphore, #tpu.memory_space<semaphore_mem>>)
        %dma_wait3A_130 = tpu.memref_slice %arg8[%mul3A_2] : memref<50176xf32, #tpu.memory_space<hbm>> -> memref<3136xf32, #tpu.memory_space<hbm>>
        %dma_wait3A_131 = tpu.memref_slice %arg8[%mul3A_2] : memref<50176xf32, #tpu.memory_space<hbm>> -> memref<3136xf32, #tpu.memory_space<hbm>>
        tpu.wait_dma2 semaphore(%run_scoped3A : memref<!tpu.dma_semaphore, #tpu.memory_space<semaphore_mem>>) src(%arg30 : memref<3136xf32, #tpu.memory_space<vmem>>) dst(%dma_wait3A_131 : memref<3136xf32, #tpu.memory_space<hbm>>)
        tpu.yield
      }) : () -> ()
    } else {
    }
    %eq3A_123 = arith.constant 1 : i32
    %eq3A_124 = arith.cmpi eq, %arg0, %eq3A_123 : i32
    %convert_element_type3A_125 = arith.extui %eq3A_124 : i1 to i32
    %cond3A_126 = arith.constant 0 : i32
    %cond3A_127 = arith.cmpi ne, %convert_element_type3A_125, %cond3A_126 : i32
    scf.if %cond3A_127 {
      "tpu.region"() ({
        %run_scoped3A = tpu.sem_alloc : memref<!tpu.dma_semaphore, #tpu.memory_space<semaphore_mem>>
        %dma_start3A_128 = tpu.memref_slice %arg9[%mul3A_2] : memref<50176xf32, #tpu.memory_space<hbm>> -> memref<3136xf32, #tpu.memory_space<hbm>>
        %dma_start3A_129 = tpu.memref_slice %arg9[%mul3A_2] : memref<50176xf32, #tpu.memory_space<hbm>> -> memref<3136xf32, #tpu.memory_space<hbm>>
        tpu.enqueue_dma source(%arg29 : memref<3136xf32, #tpu.memory_space<vmem>>) target(%dma_start3A_129 : memref<3136xf32, #tpu.memory_space<hbm>>) target_semaphore(%run_scoped3A : memref<!tpu.dma_semaphore, #tpu.memory_space<semaphore_mem>>)
        %dma_wait3A_130 = tpu.memref_slice %arg9[%mul3A_2] : memref<50176xf32, #tpu.memory_space<hbm>> -> memref<3136xf32, #tpu.memory_space<hbm>>
        %dma_wait3A_131 = tpu.memref_slice %arg9[%mul3A_2] : memref<50176xf32, #tpu.memory_space<hbm>> -> memref<3136xf32, #tpu.memory_space<hbm>>
        tpu.wait_dma2 semaphore(%run_scoped3A : memref<!tpu.dma_semaphore, #tpu.memory_space<semaphore_mem>>) src(%arg29 : memref<3136xf32, #tpu.memory_space<vmem>>) dst(%dma_wait3A_131 : memref<3136xf32, #tpu.memory_space<hbm>>)
        tpu.yield
      }) : () -> ()
      "tpu.region"() ({
        %run_scoped3A = tpu.sem_alloc : memref<!tpu.dma_semaphore, #tpu.memory_space<semaphore_mem>>
        %dma_start3A_128 = tpu.memref_slice %arg10[%mul3A_2] : memref<50176xf32, #tpu.memory_space<hbm>> -> memref<3136xf32, #tpu.memory_space<hbm>>
        %dma_start3A_129 = tpu.memref_slice %arg10[%mul3A_2] : memref<50176xf32, #tpu.memory_space<hbm>> -> memref<3136xf32, #tpu.memory_space<hbm>>
        tpu.enqueue_dma source(%arg30 : memref<3136xf32, #tpu.memory_space<vmem>>) target(%dma_start3A_129 : memref<3136xf32, #tpu.memory_space<hbm>>) target_semaphore(%run_scoped3A : memref<!tpu.dma_semaphore, #tpu.memory_space<semaphore_mem>>)
        %dma_wait3A_130 = tpu.memref_slice %arg10[%mul3A_2] : memref<50176xf32, #tpu.memory_space<hbm>> -> memref<3136xf32, #tpu.memory_space<hbm>>
        %dma_wait3A_131 = tpu.memref_slice %arg10[%mul3A_2] : memref<50176xf32, #tpu.memory_space<hbm>> -> memref<3136xf32, #tpu.memory_space<hbm>>
        tpu.wait_dma2 semaphore(%run_scoped3A : memref<!tpu.dma_semaphore, #tpu.memory_space<semaphore_mem>>) src(%arg30 : memref<3136xf32, #tpu.memory_space<vmem>>) dst(%dma_wait3A_131 : memref<3136xf32, #tpu.memory_space<hbm>>)
        tpu.yield
      }) : () -> ()
    } else {
    }
    return
  }
}

module attributes {stable_mosaic.version = 14 : i64} {
  func.func @_prep_body(%arg0: memref<1x50176xf32, #tpu.memory_space<vmem>>, %arg1: memref<1x50176xf32, #tpu.memory_space<vmem>>, %arg2: memref<1x50176xf32, #tpu.memory_space<vmem>>, %arg3: memref<1x50176xf32, #tpu.memory_space<vmem>>) attributes {dimension_semantics = [], scalar_prefetch = 0 : i64, scratch_operands = 0 : i64, tpu.core_type = #tpu.core_type<tc>} {
    %get3A = arith.constant 0 : index
    %get3A_0 = arith.constant 0 : index
    %get3A_1 = vector.load %arg0[%get3A, %get3A_0] : memref<1x50176xf32, #tpu.memory_space<vmem>>, vector<1x50176xf32>
    %get3A_2 = arith.constant 0 : index
    %get3A_3 = arith.constant 0 : index
    %get3A_4 = vector.load %arg1[%get3A_2, %get3A_3] : memref<1x50176xf32, #tpu.memory_space<vmem>>, vector<1x50176xf32>
    %cos3A = math.cos %get3A_4 : vector<1x50176xf32>
    %mul3A = arith.mulf %get3A_1, %cos3A : vector<1x50176xf32>
    %swap3A = arith.constant 0 : index
    %swap3A_5 = arith.constant 0 : index
    %swap3A_6 = vector.load %arg2[%swap3A, %swap3A_5] : memref<1x50176xf32, #tpu.memory_space<vmem>>, vector<1x50176xf32>
    tpu.vector_store %arg2[%swap3A, %swap3A_5], %mul3A {strides = array<i32>} : memref<1x50176xf32, #tpu.memory_space<vmem>>, vector<1x50176xf32>,
    %sin3A = math.sin %get3A_4 : vector<1x50176xf32>
    %mul3A_7 = arith.mulf %get3A_1, %sin3A : vector<1x50176xf32>
    %swap3A_8 = arith.constant 0 : index
    %swap3A_9 = arith.constant 0 : index
    %swap3A_10 = vector.load %arg3[%swap3A_8, %swap3A_9] : memref<1x50176xf32, #tpu.memory_space<vmem>>, vector<1x50176xf32>
    tpu.vector_store %arg3[%swap3A_8, %swap3A_9], %mul3A_7 {strides = array<i32>} : memref<1x50176xf32, #tpu.memory_space<vmem>>, vector<1x50176xf32>,
    return
  }
}

module attributes {stable_mosaic.version = 14 : i64} {
  func.func @_final_body(%arg0: memref<1x50176xf32, #tpu.memory_space<vmem>>, %arg1: memref<1x50176xf32, #tpu.memory_space<vmem>>, %arg2: memref<1x50176xf32, #tpu.memory_space<vmem>>, %arg3: memref<1x50176xf32, #tpu.memory_space<vmem>>, %arg4: memref<1x50176xf32, #tpu.memory_space<vmem>>, %arg5: memref<1x50176xf32, #tpu.memory_space<vmem>>, %arg6: memref<1x50176xf32, #tpu.memory_space<vmem>>, %arg7: memref<1x50176xf32, #tpu.memory_space<vmem>>, %arg8: memref<1x50176xi32, #tpu.memory_space<vmem>>, %arg9: memref<1x128xf32, #tpu.memory_space<vmem>>) attributes {dimension_semantics = [], scalar_prefetch = 0 : i64, scratch_operands = 0 : i64, tpu.core_type = #tpu.core_type<tc>} {
    %get3A = arith.constant 0 : index
    %get3A_0 = arith.constant 0 : index
    %get3A_1 = vector.load %arg0[%get3A, %get3A_0] : memref<1x50176xf32, #tpu.memory_space<vmem>>, vector<1x50176xf32>
    %get3A_2 = arith.constant 0 : index
    %get3A_3 = arith.constant 0 : index
    %get3A_4 = vector.load %arg2[%get3A_2, %get3A_3] : memref<1x50176xf32, #tpu.memory_space<vmem>>, vector<1x50176xf32>
    %add3A = arith.addf %get3A_1, %get3A_4 : vector<1x50176xf32>
    %get3A_5 = arith.constant 0 : index
    %get3A_6 = arith.constant 0 : index
    %get3A_7 = vector.load %arg1[%get3A_5, %get3A_6] : memref<1x50176xf32, #tpu.memory_space<vmem>>, vector<1x50176xf32>
    %get3A_8 = arith.constant 0 : index
    %get3A_9 = arith.constant 0 : index
    %get3A_10 = vector.load %arg3[%get3A_8, %get3A_9] : memref<1x50176xf32, #tpu.memory_space<vmem>>, vector<1x50176xf32>
    %add3A_11 = arith.addf %get3A_7, %get3A_10 : vector<1x50176xf32>
    %get3A_12 = arith.constant 0 : index
    %get3A_13 = arith.constant 0 : index
    %get3A_14 = vector.load %arg4[%get3A_12, %get3A_13] : memref<1x50176xf32, #tpu.memory_space<vmem>>, vector<1x50176xf32>
    %get3A_15 = arith.constant 0 : index
    %get3A_16 = arith.constant 0 : index
    %get3A_17 = vector.load %arg5[%get3A_15, %get3A_16] : memref<1x50176xf32, #tpu.memory_space<vmem>>, vector<1x50176xf32>
    %mul3A = arith.mulf %get3A_14, %add3A : vector<1x50176xf32>
    %mul3A_18 = arith.mulf %get3A_17, %add3A_11 : vector<1x50176xf32>
    %add3A_19 = arith.addf %mul3A, %mul3A_18 : vector<1x50176xf32>
    %mul3A_20 = arith.mulf %get3A_17, %add3A : vector<1x50176xf32>
    %mul3A_21 = arith.mulf %get3A_14, %add3A_11 : vector<1x50176xf32>
    %sub3A = arith.subf %mul3A_20, %mul3A_21 : vector<1x50176xf32>
    %get3A_22 = arith.constant 0 : index
    %get3A_23 = arith.constant 0 : index
    %get3A_24 = vector.load %arg6[%get3A_22, %get3A_23] : memref<1x50176xf32, #tpu.memory_space<vmem>>, vector<1x50176xf32>
    %sub3A_25 = arith.subf %add3A_19, %get3A_24 : vector<1x50176xf32>
    %get3A_26 = arith.constant 0 : index
    %get3A_27 = arith.constant 0 : index
    %get3A_28 = vector.load %arg7[%get3A_26, %get3A_27] : memref<1x50176xf32, #tpu.memory_space<vmem>>, vector<1x50176xf32>
    %sub3A_29 = arith.subf %sub3A, %get3A_28 : vector<1x50176xf32>
    %get3A_30 = arith.constant 0 : index
    %get3A_31 = arith.constant 0 : index
    %get3A_32 = vector.load %arg8[%get3A_30, %get3A_31] : memref<1x50176xi32, #tpu.memory_space<vmem>>, vector<1x50176xi32>
    %get3A_33 = arith.constant dense<0> : vector<1x50176xi32>
    %get3A_34 = arith.cmpi ne, %get3A_32, %get3A_33 : vector<1x50176xi32>
    %jit3A = arith.constant 0.000000e+00 : f32
    %broadcast_in_dim3A = vector.broadcast %jit3A : f32 to vector<1x50176xf32>
    %select_n3A = arith.select %get3A_34, %sub3A_25, %broadcast_in_dim3A : vector<1x50176xi1>, vector<1x50176xf32>
    %jit3A_35 = arith.constant 0.000000e+00 : f32
    %broadcast_in_dim3A_36 = vector.broadcast %jit3A_35 : f32 to vector<1x50176xf32>
    %select_n3A_37 = arith.select %get3A_34, %sub3A_29, %broadcast_in_dim3A_36 : vector<1x50176xi1>, vector<1x50176xf32>
    %mul3A_38 = arith.mulf %select_n3A, %select_n3A : vector<1x50176xf32>
    %mul3A_39 = arith.mulf %select_n3A_37, %select_n3A_37 : vector<1x50176xf32>
    %add3A_40 = arith.addf %mul3A_38, %mul3A_39 : vector<1x50176xf32>
    %sqrt3A = math.sqrt %add3A_40 : vector<1x50176xf32>
    %reduce_sum3A = vector.shape_cast %sqrt3A : vector<1x50176xf32> to vector<1x1x50176xf32>
    %reduce_sum3A_41 = arith.constant dense<0.000000e+00> : vector<1xf32>
    %reduce_sum3A_42 = vector.multi_reduction <add>, %reduce_sum3A, %reduce_sum3A_41 [1, 2] : vector<1x1x50176xf32> to vector<1xf32>
    %reduce_sum3A_43 = vector.shape_cast %reduce_sum3A_42 : vector<1xf32> to vector<1x1x1xf32>
    %reduce_sum3A_44 = vector.extract %reduce_sum3A_43[0, 0, 0] : f32 from vector<1x1x1xf32>
    %abs3A = math.absf %select_n3A : vector<1x50176xf32>
    %reduce_sum3A_45 = vector.shape_cast %abs3A : vector<1x50176xf32> to vector<1x1x50176xf32>
    %reduce_sum3A_46 = arith.constant dense<0.000000e+00> : vector<1xf32>
    %reduce_sum3A_47 = vector.multi_reduction <add>, %reduce_sum3A_45, %reduce_sum3A_46 [1, 2] : vector<1x1x50176xf32> to vector<1xf32>
    %reduce_sum3A_48 = vector.shape_cast %reduce_sum3A_47 : vector<1xf32> to vector<1x1x1xf32>
    %reduce_sum3A_49 = vector.extract %reduce_sum3A_48[0, 0, 0] : f32 from vector<1x1x1xf32>
    %abs3A_50 = math.absf %select_n3A_37 : vector<1x50176xf32>
    %reduce_sum3A_51 = vector.shape_cast %abs3A_50 : vector<1x50176xf32> to vector<1x1x50176xf32>
    %reduce_sum3A_52 = arith.constant dense<0.000000e+00> : vector<1xf32>
    %reduce_sum3A_53 = vector.multi_reduction <add>, %reduce_sum3A_51, %reduce_sum3A_52 [1, 2] : vector<1x1x50176xf32> to vector<1xf32>
    %reduce_sum3A_54 = vector.shape_cast %reduce_sum3A_53 : vector<1xf32> to vector<1x1x1xf32>
    %reduce_sum3A_55 = vector.extract %reduce_sum3A_54[0, 0, 0] : f32 from vector<1x1x1xf32>
    %iota3A = tpu.iota {dimensions = array<i32: 1>} : vector<1x128xi32>
    %eq3A = arith.constant 0 : i32
    %eq3A_56 = vector.broadcast %eq3A : i32 to vector<1x128xi32>
    %eq3A_57 = arith.cmpi eq, %iota3A, %eq3A_56 : vector<1x128xi32>
    %eq3A_58 = arith.constant 1 : i32
    %eq3A_59 = vector.broadcast %eq3A_58 : i32 to vector<1x128xi32>
    %eq3A_60 = arith.cmpi eq, %iota3A, %eq3A_59 : vector<1x128xi32>
    %eq3A_61 = arith.constant 2 : i32
    %eq3A_62 = vector.broadcast %eq3A_61 : i32 to vector<1x128xi32>
    %eq3A_63 = arith.cmpi eq, %iota3A, %eq3A_62 : vector<1x128xi32>
    %jit3A_64 = arith.constant 0.000000e+00 : f32
    %broadcast_in_dim3A_65 = vector.broadcast %reduce_sum3A_55 : f32 to vector<1x128xf32>
    %broadcast_in_dim3A_66 = vector.broadcast %jit3A_64 : f32 to vector<1x128xf32>
    %select_n3A_67 = arith.select %eq3A_63, %broadcast_in_dim3A_65, %broadcast_in_dim3A_66 : vector<1x128xi1>, vector<1x128xf32>
    %broadcast_in_dim3A_68 = vector.broadcast %reduce_sum3A_49 : f32 to vector<1x128xf32>
    %select_n3A_69 = arith.select %eq3A_60, %broadcast_in_dim3A_68, %select_n3A_67 : vector<1x128xi1>, vector<1x128xf32>
    %broadcast_in_dim3A_70 = vector.broadcast %reduce_sum3A_44 : f32 to vector<1x128xf32>
    %select_n3A_71 = arith.select %eq3A_57, %broadcast_in_dim3A_70, %select_n3A_69 : vector<1x128xi1>, vector<1x128xf32>
    %mul3A_72 = arith.constant 2.000000e-05 : f32
    %mul3A_73 = vector.broadcast %mul3A_72 : f32 to vector<1x128xf32>
    %mul3A_74 = arith.mulf %select_n3A_71, %mul3A_73 : vector<1x128xf32>
    %swap3A = arith.constant 0 : index
    %swap3A_75 = arith.constant 0 : index
    %swap3A_76 = vector.load %arg9[%swap3A, %swap3A_75] : memref<1x128xf32, #tpu.memory_space<vmem>>, vector<1x128xf32>
    tpu.vector_store %arg9[%swap3A, %swap3A_75], %mul3A_74 {strides = array<i32>} : memref<1x128xf32, #tpu.memory_space<vmem>>, vector<1x128xf32>,
    return
  }
}

</mosaic_0001>

<sc_bundles>
// kernel: kernel.5.cloned.1.call-start
scs
__scs_entry_jumppad:
0x0: {  	(pc) =	sbr.rel $0x88, $3  }
0x1: {  	(tag) =	ssettag $0x0;
	lr =	simm.s32 $0x1  }
0x2: {  	[smem:$0x3F9C] =	sst lr;
	_ =	strace $0xD0000000  }
0x3: {  	_ = 	snop  }
0x4: {  	_ = 	snop  }
0x5: {  	_ = 	snop  }
0x6: {  	_ = 	snop  }
0x7: {  	_ = 	snop  }
__scs_overlays_trampoline_lowered:
0x8: {  	[smem:$0x3FAB] =	sst s0  }
0x9: {  	[smem:$0x3FAC] =	sst s1  }
0xa: {  	[smem:$0x3FAD] =	sst s2  }
0xb: {  	[smem:$0x3FAE] =	sst s3  }
0xc: {  	[smem:$0x3FAF] =	sst s4  }
0xd: {  	[smem:$0x3FB0] =	sst s5  }
0xe: {  	[smem:$0x3FB1] =	sst s6  }
0xf: {  	[smem:$0x3FB2] =	sst s7  }
0x10: {  	[smem:$0x3FB3] =	sst s8  }
0x11: {  	[smem:$0x3FB4] =	sst s9;
	s0 =	simm.s32 @!p0 $0x0  }
0x12: {  	s1 =	sld [smem:$0x3F9A];
	s0 =	simm.s32 @p0 $0x1  }
0x13: {  	[smem:$0x3FB5] =	sst s0;
	s0 =	simm.s32 @!p1 $0x0  }
0x14: {  	s2 =	sld [smem:$0x3F99];
	s0 =	simm.s32 @p1 $0x1  }
0x15: {  	[smem:$0x3FB6] =	sst s0;
	s0 =	simm.s32 @!p2 $0x0  }
0x16: {  	s3 =	sld [smem:$0x3FDB];
	s0 =	simm.s32 @p2 $0x1  }
0x17: {  	s4 =	simm.s32 $0x1BF5;
	[smem:$0x3FB8] =	sst s0  }
0x18: {  	s0 =	sld [smem:$0x3F9B];
	_ =	swait.ge [sflag:s4], $0x0  }
0x19: {  	s7 =	sld [smem:$0x3F9C]  }
0x1a: {  	s8 =	sadd.s32 $0xFFFFE003, lr  }
0x1b: {  	s9 =	sadd.s32 $0xFFFFFEF7, lr;
	s5 =	simm.s32 $0xFFFFFFFF;
	p2 =	slt.u32 s8, $0xFFFFF086  }
0x1c: {  	p1 =	slt.u32 s9, $0xF7A;
	s5 =	simm.s32 @!p2 $0x0  }
0x1d: {  	s5 =	simm.s32 @p1 $0x1;
	p0 =	seq.s32 s7, s2  }
0x1e: {  	s7 =	smul.u32 @!p0 $0xF7A, s2;
	p2 =	seq.s32 @!p0 s5, $0x0  }
0x1f: {  	s9 =	smul.u32 $0xF7A, s1;
	s8 =	simm.s32 @!p0 $0x1BF5;
	p2 =	por !p2, p0  }
0x20: {  	[sflag:s8] =	ssyncset.s32 @!p0 $0xFFFFF086;
	s6 =	sadd.s32 @!p0 s3, s7;
	s7 =	simm.s32 @!p0 $0x108  }
0x21: {  	s3 =	sadd.s32 s3, s9;
	s6 =	sadd.s32 @!p0 $0x88, s6;
	s7 =	simm.s32 @p2 $0x1082  }
0x22: {  	[simem:s7], [sflag:s8] =	dma.local @!p0 [hbm:s6], $0xF7A  }
0x23: {  	s9 =	sor.u32 $0xD0000000, s2;
	s6 =	simm.s32 $0x108;
	_ =	swait.ge @!p0 [sflag:s8], $0x0  }
0x24: {  	s3 =	sadd.s32 $0x88, s3;
	s6 =	simm.s32 @!p1 $0x1082;
	[sflag:s4] =	ssyncset.s32 $0xFFFFF086  }
0x25: {  	[simem:s6], [sflag:s4] =	dma.local [hbm:s3], $0xF7A  }
0x26: {  	[smem:$0x3F9C] =	sst s1;
	(tag) =	ssettag s2;
	_ =	strace s9  }
0x27: {  	s1 =	sld [smem:$0x3FAC]  }
0x28: {  	s2 =	sld [smem:$0x3FAD]  }
0x29: {  	s4 =	sld [smem:$0x3FAF]  }
0x2a: {  	p0 =	seq.s32 s5, $0x0;
	s5 =	sld [smem:$0x3FB0]  }
0x2b: {  	s6 =	sld [smem:$0x3FB1]  }
0x2c: {  	s7 =	sld [smem:$0x3FB2]  }
0x2d: {  	s3 =	simm.s32 $0x108;
	s8 =	sld [smem:$0x3FB3]  }
0x2e: {  	s3 =	simm.s32 @!p0 $0x1082;
	s9 =	sld [smem:$0x3FB4]  }
0x2f: {  	lr =	sadd.s32 s0, s3;
	s0 =	sld [smem:$0x3FAB]  }
0x30: {  	s3 =	sld [smem:$0x3FAE]  }
0x31: {  	[smem:$0x3FB7] =	sst s10  }
0x32: {  	s10 =	sld [smem:$0x3FB5];
	_ =	sdelay $0x3  }
0x33: {  	p0 =	seq.s32 s10, $0x1;
	s10 =	sld [smem:$0x3FB7];
	_ =	sdelay $0x3  }
0x34: {  	[smem:$0x3FB7] =	sst s10  }
0x35: {  	s10 =	sld [smem:$0x3FB6];
	_ =	sdelay $0x3  }
0x36: {  	p1 =	seq.s32 s10, $0x1;
	s10 =	sld [smem:$0x3FB7];
	_ =	sdelay $0x3  }
0x37: {  	[smem:$0x3FB7] =	sst s10  }
0x38: {  	s10 =	sld [smem:$0x3FB8]  }
0x39: {  	_ = 	snop;
	(pc) =	sbr.ind lr, $3  }
0x3a: {  	_ = 	snop  }
0x3b: {  	_ = 	snop  }
0x3c: {  	p2 =	seq.s32 s10, $0x1;
	s10 =	sld [smem:$0x3FB7]  }
0x3d: {  	_ =	shalt  }
0x3e: {  	_ =	shalt  }
0x3f: {  	_ =	shalt  }
0x40: {  	_ =	shalt  }
0x41: {  	_ =	shalt  }
0x42: {  	_ =	shalt  }
0x43: {  	_ =	shalt  }
0x44: {  	_ =	shalt  }
0x45: {  	_ =	shalt  }
0x46: {  	_ =	shalt  }
0x47: {  	_ =	shalt  }
0x48: {  	_ =	shalt  }
0x49: {  	_ =	shalt  }
0x4a: {  	_ =	shalt  }
0x4b: {  	_ =	shalt  }
0x4c: {  	_ =	shalt  }
0x4d: {  	_ =	shalt  }
0x4e: {  	_ =	shalt  }
0x4f: {  	_ =	shalt  }
0x50: {  	_ =	shalt  }
0x51: {  	_ =	shalt  }
0x52: {  	_ =	shalt  }
0x53: {  	_ =	shalt  }
0x54: {  	_ =	shalt  }
0x55: {  	_ =	shalt  }
0x56: {  	_ =	shalt  }
0x57: {  	_ =	shalt  }
0x58: {  	_ =	shalt  }
0x59: {  	_ =	shalt  }
0x5a: {  	_ =	shalt  }
0x5b: {  	_ =	shalt  }
0x5c: {  	_ =	shalt  }
0x5d: {  	_ =	shalt  }
0x5e: {  	_ =	shalt  }
0x5f: {  	_ =	shalt  }
0x60: {  	_ =	shalt  }
0x61: {  	_ =	shalt  }
0x62: {  	_ =	shalt  }
0x63: {  	_ =	shalt  }
0x64: {  	_ =	shalt  }
0x65: {  	_ =	shalt  }
0x66: {  	_ =	shalt  }
0x67: {  	_ =	shalt  }
0x68: {  	_ =	shalt  }
0x69: {  	_ =	shalt  }
0x6a: {  	_ =	shalt  }
0x6b: {  	_ =	shalt  }
0x6c: {  	_ =	shalt  }
0x6d: {  	_ =	shalt  }
0x6e: {  	_ =	shalt  }
0x6f: {  	_ =	shalt  }
0x70: {  	_ =	shalt  }
0x71: {  	_ =	shalt  }
0x72: {  	_ =	shalt  }
0x73: {  	_ =	shalt  }
0x74: {  	_ =	shalt  }
0x75: {  	_ =	shalt  }
0x76: {  	_ =	shalt  }
0x77: {  	_ =	shalt  }
0x78: {  	_ =	shalt  }
0x79: {  	_ =	shalt  }
0x7a: {  	_ =	shalt  }
0x7b: {  	_ =	shalt  }
0x7c: {  	_ =	shalt  }
0x7d: {  	_ =	shalt  }
0x7e: {  	_ =	shalt  }
0x7f: {  	_ =	shalt  }
0x80: {  	_ =	shalt  }
0x81: {  	_ =	shalt  }
0x82: {  	_ =	shalt  }
0x83: {  	_ =	shalt  }
0x84: {  	_ =	shalt  }
0x85: {  	_ =	shalt  }
0x86: {  	_ =	shalt  }
0x87: {  	_ =	shalt  }
.Lfunc_end0:
.L_simem_size_0:
called_computation_lowered:
.L_overlay_start_0:
0x88: {  	s2 =	sld [smem:$0x3FD9]  }
0x89: {  	s3 =	sld [smem:$0x3FFE];
	_ =	sdelay $0x1  }
0x8a: {  	s1 =	srdreg.scid  }
0x8b: {  	s0 =	sand.u32 $0x1, s1  }
0x8c: {  	s16 =	sshll.u32 s0, $0xA;
	s2 =	sadd.s32 s3, s2  }
0x8d: {  	s2 =	sadd.s32 s2, s16  }
0x8e: {  	[smem:$0x3FC3] =	sst s2  }
0x8f: {  	_ = 	snop  }
0x90: {  	(tm) =	ssettm $0x1  }
0x91: {  	s17 =	sld [smem:$0x3FFB];
	_ =	sdelay $0x3  }
0x92: {  	_ =	strace s17  }
0x93: {  	s2 =	sld [smem:$0x3FFC];
	_ =	sdelay $0x3  }
0x94: {  	_ =	strace s2  }
0x95: {  	s2 =	sld [smem:$0x3FFD];
	_ =	sdelay $0x3  }
0x96: {  	_ =	strace s2  }
0x97: {  	_ =	strace $0x8FFFFFFF  }
0x98: {  	s18 =	sld [smem:$0x3FDB];
	_ =	sdelay $0x1  }
0x99: {  	s19 =	simm.s32 $_scs_section_size  }
0x9a: {  	s4 =	simm.s32 $_size__tile_overlayer_lowered;
	s5 =	simm.s32 $_tile_overlayer_lowered  }
0x9b: {  	s22 =	simm.s32 $0x1BFF;
	s21 =	sshll.u32 s5, $0x1;
	s2 =	sadd.s32 s19, s18  }
0x9c: {  	s6 =	simm.s32 $0x0;
	s20 =	sshll.u32 s4, $0x1;
	s4 =	sadd.s32 s21, s2  }
0x9d: {  	[timem:s6], [sflag:s22] =	dma.local [hbm:s4], s20  }
0x9e: {  	_ =	swait.ge [sflag:s22], s20  }
0x9f: {  	s3 =	ssub.s32 $0x0, s20;
	[sflag:s22] =	ssyncset.done $0x0  }
0xa0: {  	[sflag:s22] =	ssyncadd.s32 s3;
	_ =	sdelay $0x1  }
0xa1: {  	s23 =	simm.s32 $0x1B8B  }
0xa2: {  	_ =	swait.ge [sflag:s23], $0x1  }
0xa3: {  	[sflag:s23] =	ssyncset.done $0x0  }
0xa4: {  	s25 =	simm.s32 $0x1B8E;
	s24 =	sld [smem:$0x3FFE];
	[sflag:s23] =	ssyncadd.s32 $0xFFFFFFFF  }
0xa5: {  	s26 =	simm.s32 $execute0_lowered;
	[smem:$0x3FD2] =	sst s25  }
0xa6: {  	s4 =	sshll.u32 s26, $0x1;
	_ =	strace $0x80000046;
	[dreg:$0x1] =	wrdreg $0xFFFFFFFF  }
0xa7: {  	s28 =	simm.s32 $_size_execute0_lowered;
	s2 =	sadd.s32 s2, s4;
	[dreg:$0x0] =	wrdreg $0x0  }
0xa8: {  	s4 =	sshll.u32 s28, $0x1;
	[dreg:$0x2] =	wrdreg s2  }
0xa9: {  	[dreg:$0x3] =	wrdreg s4  }
0xaa: {  	[dreg:$0x4] =	wrdreg $0xC0  }
0xab: {  	_ =	task [dreg:s6], $0x5FFFF  }
0xac: {  	[dreg:$0x1] =	wrdreg $0xFFFFFFFF  }
0xad: {  	[dreg:$0x0] =	wrdreg $0x60  }
0xae: {  	[dreg:$0x2] =	wrdreg s24  }
0xaf: {  	[dreg:$0x3] =	wrdreg $0x1C9000  }
0xb0: {  	[dreg:$0x4] =	wrdreg $0x1D5400  }
0xb1: {  	[dreg:$0x5] =	wrdreg $0x9  }
0xb2: {  	_ =	task.clear_ibuf [dreg:s6], $0x6FFFF;
	_ =	strace $0x90000046  }
0xb3: {  	s29 =	simm.s32 $0x9;
	_ =	strace $0x80000048  }
0xb4: {  	_ =	swait.ge [sflag:s29], $0x1  }
0xb5: {  	[sflag:s29] =	ssyncadd.s32 $0xFFFFFFFF  }
0xb6: {  	_ =	strace $0x90000048  }
0xb7: {  	_ =	sfence  }
0xb8: {  	s30 =	sld [smem:$0x0];
	_ =	sdelay $0x2  }
0xb9: {  	s31 =	sshll.u32 s1, $0xD;
	s1 =	sshrl.u32 s1, $0x2  }
0xba: {  	s3 =	sand.u32 $0x4000, s31;
	s1 =	sadd.s32 s1, s30  }
0xbb: {  	s0 =	sor.u32 s3, s0;
	s1 =	sshll.u32 s1, $0x11  }
0xbc: {  	s0 =	sor.u32 s1, s0  }
0xbd: {  	s0 =	sadd.s32 $0x8F2B, s0  }
0xbe: {  	[sflag:s0] =	ssyncadd.remote.s32 $0x1  }
0xbf: {  	_ =	sfence.sel $0xFFFF  }
0xc0: {  	[dreg:$0x0] =	wrdreg $0xFFFFFFFF;
	(pc) =	sbr.abs _section_cstart, $3  }
0xc1: {  	[dreg:$0x1] =	wrdreg $0xFFFFFFFF  }
0xc2: {  	_ =	task.clear_ibuf [dreg:s6], $0x2FFFF;
	_ =	strace $0x9FFFFFFF  }
0xc3: {  	(tm) =	ssettm $0x7FFFFFFF  }
tec
execute0_lowered:
.L_overlay_start_1:
0x0: {  	(tag) =	ssettag $0x1  }
0x1: {  	s0 =	rddreg [dreg:$0x0]  }
0x2: {  	s1 =	rddreg [dreg:$0x1]  }
0x3: {  	s2 =	rddreg [dreg:$0x2]  }
0x4: {  	s3 =	simm.s32 $0x0;
	s6 =	srdreg.scid;
	s15 =	stileid.u32  }
0x5: {  	s19 =	simm.s32 $0x6;
	s18 =	simm.s32 $0x19800;
	[smem:$0x7FF] =	sst s3  }
0x6: {  	s4 =	sadd.s32 $0x1E00, s0;
	s5 =	sadd.s32 $0x63A00, s0;
	s7 =	sadd.s32 $0xC5600, s0  }
0x7: {  	s20 =	sadd.s32 $0xC7000, s0;
	s6 =	sand.u32 $0x1, s6;
	s21 =	sadd.s32 $0xC8A00, s0  }
0x8: {  	s8 =	sadd.s32 $0xC8C00, s0;
	_ =	strace $0x80000047;
	[dreg:$0x4] =	wrdreg s7  }
0x9: {  	s9 =	sadd.s32 $0xCA600, s0;
	s11 =	sadd.s32 $0xCC000, s0;
	[dreg:$0x5] =	wrdreg s20  }
0xa: {  	s0 =	sadd.s32 $0xCDA00, s0;
	[dreg:$0x6] =	wrdreg s21;
	s22 =	sshll.u32 s6, $0x4  }
0xb: {  	s10 =	ssub.s32 $0x2, s6;
	p0 =	seq.s32 s6, $0x1;
	s21 =	simm.s32 $0x1A600  }
0xc: {  	s20 =	simm.s32 $0x0;
	s7 =	sor.u32 s15, s22;
	s15 =	smul.u32 $0xC40, s15  }
0xd: {  	s13 =	sshrl.u32 s10, $0x1;
	s8 =	smov.u32 @p0 s11;
	s12 =	smul.u32 $0x18400, s7  }
0xe: {  	s9 =	smov.u32 @p0 s0;
	s0 =	simm.s32 $0x2;
	s14 =	smul.u32 $0x3080, s7  }
0xf: {  	s11 =	simm.s32 $0x1A200;
	s13 =	ssub.s32 s10, s13;
	s10 =	smul.u32 $0x61, s7  }
0x10: {  	s24 =	sshll.u32 s7, $0x7;
	p0 =	sgt.u32 s7, $0x14;
	s29 =	smax.u32 s13, $0x1  }
0x11: {  	s25 =	sor.u32 $0x61000, s24;
	s16 =	sadd.s32 s4, s14;
	[dreg:$0xf] =	wrdreg s29  }
0x12: {  	s28 =	sshrl.u32 s15, $0x3;
	s14 =	sadd.s32 s5, s14;
	[dreg:$0x7] =	wrdreg s16  }
0x13: {  	s13 =	simm.s32 $0x1A400;
	s26 =	sadd.s32 s4, s25;
	[dreg:$0x8] =	wrdreg s14  }
0x14: {  	s12 =	sshrl.u32 s12, $0x3;
	s6 =	sadd.s32 s5, s25;
	[dreg:$0xd] =	wrdreg s26  }
0x15: {  	s17 =	sadd.s32 $0x1, s10;
	s30 =	sadd.s32 s8, s28;
	[dreg:$0xe] =	wrdreg s6  }
0x16: {  	s31 =	sadd.s32 s9, s28;
	s8 =	simm.s32 $0x19A00;
	[dreg:$0x10] =	wrdreg s30  }
.Ltmp0:
0x17: {  	s14 =	sadd.s32 s15, s1;
	[dreg:$0x11] =	wrdreg s31;
	(pc) =	sbr.rel .LBB2_1-.Ltmp0, $4  }
0x18: {  	s12 =	sadd.s32 $0x80, s12;
	s16 =	sadd.s32 s15, s2;
	[dreg:$0xb] =	wrdreg s14  }
0x19: {  	s15 =	simm.s32 $0x1B000;
	s23 =	sadd.s32 s4, s12;
	[dreg:$0xc] =	wrdreg s16  }
0x1a: {  	s6 =	simm.s32 $0x200;
	s12 =	sadd.s32 s5, s12;
	[dreg:$0x9] =	wrdreg s23  }
0x1b: {  	[dreg:$0xa] =	wrdreg s12;
	s23 =	simm.s32 $0xC400;
	s12 =	simm.s32 $0x3  }
.LBB2_14:
0x1c: {  	[bflag:$0x0] =	sbarrier.arrive $0xFFFF  }
0x1d: {  	s15 =	simm.s32 $0x1B000;
	s19 =	simm.s32 $0x6;
	s14 =	rddreg [dreg:$0xb]  }
0x1e: {  	[tilespmem:s15], [sflag:$0x6] =	stream.linear.gather [spmem:s14], $0xC40, $0x38;
	[tilespmem:$0x1E180] =	vst v63  }
0x1f: {  	_ =	swait.ge [sflag:s19], $0xC40  }
0x20: {  	[sflag:s19] =	ssyncset.done $0x0  }
0x21: {  	s9 =	simm.s32 $0x1BC80;
	s16 =	rddreg [dreg:$0xc];
	[sflag:s19] =	ssyncadd.s32 $0xFFFFF3C0  }
0x22: {  	[tilespmem:s9], [sflag:$0x6] =	stream.linear.gather [spmem:s16], $0xC40, $0x38;
	[tilespmem:$0x1E180] =	vst v63  }
0x23: {  	_ =	swait.ge [sflag:s19], $0xC40  }
0x24: {  	[sflag:s19] =	ssyncset.done $0x0  }
0x25: {  	s7 =	rddreg [dreg:$0x10];
	[sflag:s19] =	ssyncadd.s32 $0xFFFFF3C0  }
0x26: {  	[hbm4b:s7+s3] =	stream.linear.scatter [tilespmem:s15], [sflag:$0x6], $0xC40, $0x38;
	[tilespmem:$0x1E180] =	vst v63  }
0x27: {  	_ =	swait.ge [sflag:s19], $0xC40  }
0x28: {  	[sflag:s19] =	ssyncset.done $0x0  }
0x29: {  	s30 =	rddreg [dreg:$0x11];
	[sflag:s19] =	ssyncadd.s32 $0xFFFFF3C0  }
0x2a: {  	[hbm4b:s30+s3] =	stream.linear.scatter [tilespmem:s9], [sflag:$0x6], $0xC40, $0x38;
	[tilespmem:$0x1E180] =	vst v63  }
0x2b: {  	_ =	swait.ge [sflag:s19], $0xC40  }
0x2c: {  	s20 =	sadd.s32 $0x1, s20;
	s31 =	rddreg [dreg:$0xf]  }
0x2d: {  	p1 =	sne.s32 s20, s31  }
.Ltmp1:
0x2e: {  	_ = 	snop;
	(pc) =	sbr.rel @!p1 .LBB2_15-.Ltmp1, $3  }
0x2f: {  	_ =	sdelay $0x1  }
0x30: {  	[sflag:s19] =	ssyncset.done $0x0  }
0x31: {  	[sflag:s19] =	ssyncadd.s32 $0xFFFFF3C0  }
.LBB2_1:
0x32: {  	[dreg:$0x12] =	wrdreg s20  }
0x33: {  	s7 =	rddreg [dreg:$0x4]  }
0x34: {  	[tilespmem:s3], [sflag:$0x1] =	stream.linear.gather [hbm4b:s7+s3], $0xC400, $0x38;
	[tilespmem:$0x1E180] =	vst v63  }
0x35: {  	s30 =	rddreg [dreg:$0x5]  }
0x36: {  	[tilespmem:s23], [sflag:$0x1] =	stream.linear.gather [hbm4b:s30+s3], $0xC400, $0x38;
	[tilespmem:$0x1E180] =	vst v63  }
0x37: {  	s31 =	rddreg [dreg:$0x7];
	s9 =	simm.s32 $0x18800  }
0x38: {  	[tilespmem:s9], [sflag:$0x2] =	stream.linear.gather [hbm4b:s31+s3], $0x400, $0x38;
	[tilespmem:$0x1E180] =	vst v63  }
0x39: {  	s20 =	rddreg [dreg:$0x8];
	s22 =	simm.s32 $0x18C00  }
0x3a: {  	[tilespmem:s22], [sflag:$0x2] =	stream.linear.gather [hbm4b:s20+s3], $0x400, $0x38;
	[tilespmem:$0x1E180] =	vst v63  }
0x3b: {  	s24 =	rddreg [dreg:$0x9];
	s25 =	simm.s32 $0x19000  }
0x3c: {  	[tilespmem:s25], [sflag:$0x3] =	stream.linear.gather [hbm4b:s24+s3], $0x400, $0x38;
	[tilespmem:$0x1E180] =	vst v63  }
0x3d: {  	s26 =	rddreg [dreg:$0xa];
	s28 =	simm.s32 $0x19400  }
0x3e: {  	[tilespmem:s28], [sflag:$0x3] =	stream.linear.gather [hbm4b:s26+s3], $0x400, $0x38;
	[tilespmem:$0x1E180] =	vst v63  }
0x3f: {  	s30 =	rddreg [dreg:$0x6]  }
0x40: {  	[tilespmem:s15], [sflag:$0x6] =	stream.linear.gather [hbm4b:s30+s3], $0xC80, $0x38;
	[tilespmem:$0x1E180] =	vst v63  }
0x41: {  	_ =	swait.ge [sflag:s19], $0xC80  }
0x42: {  	[sflag:s19] =	ssyncset.done $0x0  }
0x43: {  	[sflag:s19] =	ssyncadd.s32 $0xFFFFF380  }
0x44: {  	[spmem:s14] =	stream.linear.scatter [tilespmem:s15], [sflag:$0x6], $0xC40, $0x38;
	[tilespmem:$0x1E180] =	vst v63  }
0x45: {  	_ =	swait.ge [sflag:s19], $0xC40  }
0x46: {  	[sflag:s19] =	ssyncset.done $0x0  }
0x47: {  	[sflag:s19] =	ssyncadd.s32 $0xFFFFF3C0  }
0x48: {  	[spmem:s16] =	stream.linear.scatter [tilespmem:s15], [sflag:$0x6], $0xC40, $0x38;
	[tilespmem:$0x1E180] =	vst v63  }
0x49: {  	_ =	swait.ge [sflag:s19], $0xC40  }
0x4a: {  	[sflag:s19] =	ssyncset.done $0x0  }
0x4b: {  	s31 =	simm.s32 $0x1;
	[sflag:s19] =	ssyncadd.s32 $0xFFFFF3C0  }
0x4c: {  	_ =	swait.ge [sflag:s31], $0xC400  }
0x4d: {  	[sflag:s31] =	ssyncset.done $0x0  }
0x4e: {  	[sflag:s31] =	ssyncadd.s32 $0xFFFF3C00  }
0x4f: {  	_ =	swait.ge [sflag:s31], $0xC400  }
0x50: {  	[sflag:s31] =	ssyncset.done $0x0  }
0x51: {  	[sflag:s31] =	ssyncadd.s32 $0xFFFF3C00  }
0x52: {  	s29 =	simm.s32 $0x0;
	[bflag:$0x0] =	sbarrier.arrive $0xFFFF  }
.LBB2_2:
0x53: {  	_ =	swait.ge [sflag:s0], $0x400  }
0x54: {  	[sflag:s0] =	ssyncset.done $0x0  }
0x55: {  	[sflag:s0] =	ssyncadd.s32 $0xFFFFFC00  }
0x56: {  	_ =	swait.ge [sflag:s0], $0x400  }
0x57: {  	p1 =	seq.s32 s29, $0x0;
	[sflag:s0] =	ssyncset.done $0x0  }
0x58: {  	s14 =	simm.s32 @!p1 $0x4;
	[sflag:s0] =	ssyncadd.s32 $0xFFFFFC00  }
0x59: {  	_ =	swait.ge @!p1 [sflag:s14], $0x200  }
0x5a: {  	[sflag:s14] =	ssyncset.done @!p1 $0x0  }
0x5b: {  	[sflag:s14] =	ssyncadd.s32 @!p1 $0xFFFFFE00  }
0x5c: {  	_ =	swait.ge @!p1 [sflag:s14], $0x200  }
0x5d: {  	[sflag:s14] =	ssyncset.done @!p1 $0x0  }
0x5e: {  	[sflag:s14] =	ssyncadd.s32 @!p1 $0xFFFFFE00  }
0x5f: {  	_ =	swait.ge @!p1 [sflag:s14], $0x200  }
0x60: {  	[sflag:s14] =	ssyncset.done @!p1 $0x0  }
0x61: {  	[sflag:s14] =	ssyncadd.s32 @!p1 $0xFFFFFE00  }
0x62: {  	s15 =	simm.s32 $0x0;
	_ =	swait.ge @!p1 [sflag:s14], $0x200  }
0x63: {  	s16 =	sand.u32 $0x300, s15;
	s15 =	sand.u32 $0x70, s15;
	[sflag:s14] =	ssyncset.done @!p1 $0x0  }
0x64: {  	s25 =	sor.u32 s15, s16;
	[sflag:s14] =	ssyncadd.s32 @!p1 $0xFFFFFE00  }
0x65: {  	v2 =	vld [tilespmem:s25+$0x18800];
	_ =	sdelay $0x1  }
0x66: {  	s7 =	simm.s32 $0x20;
	s9 =	simm.s32 $0x10;
	v3 =	vld [tilespmem:s25+$0x18880]  }
0x67: {  	s15 =	sand.u32 $0x300, s7;
	s16 =	sand.u32 $0x70, s9  }
0x68: {  	s19 =	sor.u32 s16, s15  }
0x69: {  	v5 =	vld [tilespmem:s19+$0x18800]  }
0x6a: {  	v4 =	vld [tilespmem:s19+$0x18880]  }
0x6b: {  	v10 =	vld [tilespmem:s25+$0x18C00]  }
0x6c: {  	v6 =	vld.idx.msk [tilespmem:v2+s3+$0x0], $0xffff  }
0x6d: {  	v7 =	vld.idx.msk [tilespmem:v2+s23+$0x0], $0xffff  }
0x6e: {  	s20 =	simm.s32 $0x20;
	s16 =	simm.s32 $0x40;
	v8 =	vld.idx.msk [tilespmem:v3+s3+$0x0], $0xffff  }
0x6f: {  	s15 =	sand.u32 $0x300, s16;
	s16 =	sand.u32 $0x70, s20;
	v9 =	vld.idx.msk [tilespmem:v3+s23+$0x0], $0xffff  }
0x70: {  	s26 =	sor.u32 s16, s15;
	v11 =	vld [tilespmem:s25+$0x18C80]  }
0x71: {  	v1 =	vld [tilespmem:s26+$0x18800]  }
0x72: {  	v0 =	vld [tilespmem:s26+$0x18880]  }
0x73: {  	v12 =	vld.idx.msk [tilespmem:v5+s3+$0x0], $0xffff  }
0x74: {  	s22 =	simm.s32 $0x60;
	s25 =	simm.s32 $0x30;
	v13 =	vld.idx.msk [tilespmem:v5+s23+$0x0], $0xffff;
	v8 =	vsub.f32 v6, v8;
	v7 =	vsub.f32 v7, v9  }
0x75: {  	s14 =	sand.u32 $0x300, s22;
	s24 =	sand.u32 $0x70, s25;
	v14 =	vld.idx.msk [tilespmem:v4+s3+$0x0], $0xffff  }
0x76: {  	s28 =	simm.s32 $0x19800;
	s16 =	sor.u32 s24, s14;
	v15 =	vld.idx.msk [tilespmem:v4+s23+$0x0], $0xffff;
	v9 =	vmul.f32 v8, v10;
	v16 =	vmul.f32 v7, v11  }
0x77: {  	[tilespmem:s28+$0x0] =	vst v2;
	v2 =	vld [tilespmem:s16+$0x18800];
	v10 =	vmul.f32 v7, v10;
	v8 =	vmul.f32 v8, v11  }
0x78: {  	s15 =	simm.s32 $0x19A00;
	v6 =	vld [tilespmem:s19+$0x18C00];
	v9 =	vsub.f32 v9, v16  }
0x79: {  	s24 =	simm.s32 $0x19C00;
	[tilespmem:s15+$0x0] =	vst v3;
	v7 =	vld [tilespmem:s19+$0x18C80];
	v8 =	vadd.f32 v10, v8  }
0x7a: {  	s14 =	simm.s32 $0x19E00;
	v3 =	vld [tilespmem:s16+$0x18880];
	[tilespmem:s24+$0x0] =	vst v9;
	v10 =	vsub.f32 $0.0e+00, v9  }
0x7b: {  	s20 =	simm.s32 $0x1A000;
	v9 =	vld.idx.msk [tilespmem:v1+s3+$0x0], $0xffff;
	v63 =	vsub.f32 $0.0e+00, v8;
	[tilespmem:s14+$0x0] =	vst v8  }
0x7c: {  	s31 =	sshll.u32 s29, $0x1;
	s22 =	simm.s32 $0x1A200;
	v11 =	vsub.f32 v12, v14;
	v12 =	vsub.f32 v13, v15;
	v8 =	vld.idx.msk [tilespmem:v1+s23+$0x0], $0xffff;
	[tilespmem:s20+$0x0] =	vst v10  }
0x7d: {  	s30 =	sadd.s32 s10, s31;
	s19 =	simm.s32 $0x80;
	v10 =	vld.idx.msk [tilespmem:v0+s3+$0x0], $0xffff;
	[tilespmem:s22+$0x0] =	vst v63  }
.LBB2_3:
0x7e: {  	p2 =	sne.s32 s19, $0x3E0;
	s25 =	sadd.s32 $0x10, s25;
	v13 =	vld.idx.msk [tilespmem:v0+s23+$0x0], $0xffff;
	v14 =	vmul.f32 v11, v6;
	v15 =	vmul.f32 v12, v7;
	v16 =	vmovc v2;
	v17 =	vmov v2  }
0x7f: {  	s7 =	sand.u32 $0x300, s19;
	v19 =	vmul.f32 v12, v6;
	v11 =	vmul.f32 v11, v7;
	s28 =	sadd.s32 $0x10, s28;
	s9 =	sand.u32 $0x70, s25;
	v6 =	vld [tilespmem:s26+$0x18C00];
	v18 =	vmov v3  }
0x80: {  	s15 =	sadd.s32 $0x10, s15;
	v7 =	vld [tilespmem:s26+$0x18C80];
	v14 =	vsub.f32 v14, v15;
	[tilespmem:s28+$0x0] =	vst v5;
	v5 =	vmov v1;
	v1 =	vmov v2;
	s26 =	smov.u32 s16;
	s16 =	sor.u32 s9, s7  }
.Ltmp2:
0x81: {  	s24 =	sadd.s32 $0x10, s24;
	v11 =	vadd.f32 v19, v11;
	v12 =	vmovc v9;
	v2 =	vld [tilespmem:s16+$0x18800];
	[tilespmem:s15+$0x0] =	vst v4;
	v4 =	vmov v0;
	v0 =	vmov v3;
	(pc) =	sbr.rel @p2 .LBB2_3-.Ltmp2, $4  }
0x82: {  	s14 =	sadd.s32 $0x10, s14;
	v3 =	vld [tilespmem:s16+$0x18880];
	[tilespmem:s24+$0x0] =	vst v14;
	v14 =	vsub.f32 $0.0e+00, v14  }
0x83: {  	s20 =	sadd.s32 $0x10, s20;
	v15 =	vsub.f32 $0.0e+00, v11;
	v9 =	vld.idx.msk [tilespmem:v17+s3+$0x0], $0xffff;
	[tilespmem:s14+$0x0] =	vst v11  }
0x84: {  	s22 =	sadd.s32 $0x10, s22;
	v11 =	vsub.f32 v12, v10;
	v12 =	vsub.f32 v8, v13;
	v8 =	vld.idx.msk [tilespmem:v16+s23+$0x0], $0xffff;
	[tilespmem:s20+$0x0] =	vst v14  }
0x85: {  	s19 =	sadd.s32 $0x20, s19;
	v10 =	vld.idx.msk [tilespmem:v18+s3+$0x0], $0xffff;
	[tilespmem:s22+$0x0] =	vst v15  }
0x86: {  	_ =	sdelay $0x3  }
0x87: {  	v13 =	vld.idx.msk [tilespmem:v0+s23+$0x0], $0xffff;
	v14 =	vmul.f32 v11, v6;
	v15 =	vmul.f32 v12, v7  }
0x88: {  	v16 =	vld [tilespmem:s26+$0x18C00];
	v6 =	vmul.f32 v12, v6;
	v7 =	vmul.f32 v11, v7  }
0x89: {  	v11 =	vld [tilespmem:s26+$0x18C80];
	s7 =	sadd.s32 $0x10, s28  }
0x8a: {  	s9 =	sadd.s32 $0x10, s15;
	[tilespmem:s7+$0x0] =	vst v5;
	v12 =	vsub.f32 v14, v15;
	v5 =	vadd.f32 v6, v7;
	v6 =	vld.idx.msk [tilespmem:v2+s3+$0x0], $0xffff  }
0x8b: {  	s25 =	sadd.s32 $0x10, s24;
	[tilespmem:s9+$0x0] =	vst v4;
	v4 =	vld.idx.msk [tilespmem:v2+s23+$0x0], $0xffff;
	v7 =	vsub.f32 v9, v10  }
0x8c: {  	s14 =	sadd.s32 $0x10, s14;
	[tilespmem:s25+$0x0] =	vst v12;
	v9 =	vsub.f32 $0.0e+00, v12;
	v10 =	vld.idx.msk [tilespmem:v3+s3+$0x0], $0xffff;
	v8 =	vsub.f32 v8, v13  }
0x8d: {  	s19 =	sadd.s32 $0x10, s20;
	v12 =	vld.idx.msk [tilespmem:v3+s23+$0x0], $0xffff;
	[tilespmem:s14+$0x0] =	vst v5;
	v5 =	vsub.f32 $0.0e+00, v5  }
0x8e: {  	s26 =	sadd.s32 $0x10, s22;
	v13 =	vmul.f32 v7, v16;
	[tilespmem:s19+$0x0] =	vst v9;
	v9 =	vld [tilespmem:s16+$0x18C00];
	v14 =	vmul.f32 v8, v11  }
0x8f: {  	s7 =	sadd.s32 $0x10, s7;
	v7 =	vmul.f32 v7, v11;
	[tilespmem:s26+$0x0] =	vst v5;
	v5 =	vmul.f32 v8, v16;
	v8 =	vld [tilespmem:s16+$0x18C80]  }
0x90: {  	[tilespmem:s7+$0x0] =	vst v1;
	s9 =	sadd.s32 $0x10, s9;
	v11 =	vsub.f32 v13, v14  }
0x91: {  	s15 =	sadd.s32 $0x10, s25;
	[tilespmem:s9+$0x0] =	vst v0;
	v1 =	vadd.f32 v5, v7;
	v5 =	vsub.f32 v6, v10  }
0x92: {  	s14 =	sadd.s32 $0x10, s14;
	v4 =	vsub.f32 v4, v12;
	v0 =	vsub.f32 $0.0e+00, v11;
	[tilespmem:s15+$0x0] =	vst v11  }
0x93: {  	s19 =	sadd.s32 $0x10, s19;
	[tilespmem:s14+$0x0] =	vst v1;
	v1 =	vsub.f32 $0.0e+00, v1  }
0x94: {  	s20 =	sadd.s32 $0x10, s26;
	v6 =	vmul.f32 v4, v8;
	[tilespmem:s19+$0x0] =	vst v0;
	v0 =	vmul.f32 v5, v9  }
0x95: {  	s7 =	sadd.s32 $0x10, s7;
	[tilespmem:s20+$0x0] =	vst v1;
	v1 =	vmul.f32 v4, v9;
	v4 =	vmul.f32 v5, v8  }
0x96: {  	s22 =	sadd.s32 $0x10, s9;
	[tilespmem:s7+$0x0] =	vst v2;
	v0 =	vsub.f32 v0, v6  }
0x97: {  	s24 =	sadd.s32 $0x10, s15;
	[tilespmem:s22+$0x0] =	vst v3;
	v1 =	vadd.f32 v1, v4  }
0x98: {  	s25 =	sadd.s32 $0x10, s14;
	[tilespmem:s24+$0x0] =	vst v0;
	v0 =	vsub.f32 $0.0e+00, v0  }
0x99: {  	s26 =	sadd.s32 $0x10, s19;
	[tilespmem:s25+$0x0] =	vst v1;
	v1 =	vsub.f32 $0.0e+00, v1  }
0x9a: {  	s9 =	sadd.s32 $0x10, s20;
	[tilespmem:s26+$0x0] =	vst v0  }
0x9b: {  	s14 =	simm.s32 $0x19C00;
	[tilespmem:s9+$0x0] =	vst v1  }
0x9c: {  	[spmem:s1] =	stream.indirect.scatter.add.f32 [tilespmem:s14], [sflag:$0x4], $0x1, s18, s6, $0xb8;
	[tilespmem:$0x1E180] =	vst v63  }
0x9d: {  	s15 =	simm.s32 $0x19E00  }
0x9e: {  	[spmem:s2] =	stream.indirect.scatter.add.f32 [tilespmem:s15], [sflag:$0x4], $0x1, s18, s6, $0xb8;
	[tilespmem:$0x1E180] =	vst v63  }
0x9f: {  	s16 =	simm.s32 $0x1A000;
	s19 =	sshll.u32 s30, $0x7  }
0xa0: {  	[spmem:s1] =	stream.indirect.scatter.add.f32 [tilespmem:s16], [sflag:$0x4], $0x1, s8, s6, $0xb8;
	[tilespmem:$0x1E180] =	vst v63  }
0xa1: {  	s7 =	sadd.s32 $0x100, s19  }
0xa2: {  	[spmem:s2] =	stream.indirect.scatter.add.f32 [tilespmem:s11], [sflag:$0x4], $0x1, s8, s6, $0xb8;
	[tilespmem:$0x1E180] =	vst v63  }
0xa3: {  	s22 =	simm.s32 $0x18800;
	s20 =	sadd.s32 s4, s7  }
0xa4: {  	[tilespmem:s22], [sflag:$0x2] =	stream.linear.gather [hbm4b:s20+s3], $0x400, $0x38;
	[tilespmem:$0x1E180] =	vst v63  }
0xa5: {  	s7 =	sadd.s32 s5, s7;
	s24 =	simm.s32 $0x18C00  }
0xa6: {  	[tilespmem:s24], [sflag:$0x2] =	stream.linear.gather [hbm4b:s7+s3], $0x400, $0x38;
	[tilespmem:$0x1E180] =	vst v63  }
0xa7: {  	_ =	swait.ge [sflag:s12], $0x400  }
0xa8: {  	[sflag:s12] =	ssyncset.done $0x0  }
0xa9: {  	[sflag:s12] =	ssyncadd.s32 $0xFFFFFC00  }
0xaa: {  	_ =	swait.ge [sflag:s12], $0x400  }
0xab: {  	[sflag:s12] =	ssyncset.done $0x0  }
0xac: {  	s7 =	simm.s32 @!p1 $0x5;
	[sflag:s12] =	ssyncadd.s32 $0xFFFFFC00  }
0xad: {  	_ =	swait.ge @!p1 [sflag:s7], $0x200  }
0xae: {  	[sflag:s7] =	ssyncset.done @!p1 $0x0  }
0xaf: {  	[sflag:s7] =	ssyncadd.s32 @!p1 $0xFFFFFE00  }
0xb0: {  	_ =	swait.ge @!p1 [sflag:s7], $0x200  }
0xb1: {  	[sflag:s7] =	ssyncset.done @!p1 $0x0  }
0xb2: {  	[sflag:s7] =	ssyncadd.s32 @!p1 $0xFFFFFE00  }
0xb3: {  	_ =	swait.ge @!p1 [sflag:s7], $0x200  }
0xb4: {  	[sflag:s7] =	ssyncset.done @!p1 $0x0  }
0xb5: {  	[sflag:s7] =	ssyncadd.s32 @!p1 $0xFFFFFE00  }
0xb6: {  	s25 =	simm.s32 $0x0;
	_ =	swait.ge @!p1 [sflag:s7], $0x200  }
0xb7: {  	s26 =	sand.u32 $0x300, s25;
	s9 =	sand.u32 $0x70, s25;
	[sflag:s7] =	ssyncset.done @!p1 $0x0  }
0xb8: {  	s30 =	sor.u32 s9, s26;
	[sflag:s7] =	ssyncadd.s32 @!p1 $0xFFFFFE00  }
0xb9: {  	v2 =	vld [tilespmem:s30+$0x19000];
	_ =	sdelay $0x1  }
0xba: {  	s19 =	simm.s32 $0x10;
	s16 =	simm.s32 $0x20;
	v3 =	vld [tilespmem:s30+$0x19080]  }
0xbb: {  	s14 =	sand.u32 $0x70, s19;
	s9 =	sand.u32 $0x300, s16  }
0xbc: {  	s9 =	sor.u32 s14, s9  }
0xbd: {  	v5 =	vld [tilespmem:s9+$0x19000]  }
0xbe: {  	v4 =	vld [tilespmem:s9+$0x19080]  }
0xbf: {  	v10 =	vld [tilespmem:s30+$0x19400]  }
0xc0: {  	v6 =	vld.idx.msk [tilespmem:v2+s3+$0x0], $0xffff  }
0xc1: {  	v7 =	vld.idx.msk [tilespmem:v2+s23+$0x0], $0xffff  }
0xc2: {  	s20 =	simm.s32 $0x40;
	s22 =	simm.s32 $0x20;
	v8 =	vld.idx.msk [tilespmem:v3+s3+$0x0], $0xffff  }
0xc3: {  	s14 =	sand.u32 $0x300, s20;
	s15 =	sand.u32 $0x70, s22;
	v9 =	vld.idx.msk [tilespmem:v3+s23+$0x0], $0xffff  }
0xc4: {  	s26 =	sor.u32 s15, s14;
	v11 =	vld [tilespmem:s30+$0x19480]  }
0xc5: {  	v1 =	vld [tilespmem:s26+$0x19000]  }
0xc6: {  	v0 =	vld [tilespmem:s26+$0x19080]  }
0xc7: {  	v12 =	vld.idx.msk [tilespmem:v5+s3+$0x0], $0xffff  }
0xc8: {  	s25 =	simm.s32 $0x30;
	s24 =	simm.s32 $0x60;
	v13 =	vld.idx.msk [tilespmem:v5+s23+$0x0], $0xffff;
	v8 =	vsub.f32 v6, v8;
	v7 =	vsub.f32 v7, v9  }
0xc9: {  	s7 =	sand.u32 $0x300, s24;
	s30 =	sand.u32 $0x70, s25;
	v14 =	vld.idx.msk [tilespmem:v4+s3+$0x0], $0xffff  }
0xca: {  	s28 =	simm.s32 $0x1A400;
	s16 =	sor.u32 s30, s7;
	v15 =	vld.idx.msk [tilespmem:v4+s23+$0x0], $0xffff;
	v9 =	vmul.f32 v8, v10;
	v62 =	vmul.f32 v7, v11  }
0xcb: {  	[tilespmem:s28+$0x0] =	vst v2;
	v2 =	vld [tilespmem:s16+$0x19000];
	v10 =	vmul.f32 v7, v10;
	v8 =	vmul.f32 v8, v11  }
0xcc: {  	s22 =	simm.s32 $0x1A600;
	v6 =	vld [tilespmem:s9+$0x19400];
	v9 =	vsub.f32 v9, v62  }
0xcd: {  	s24 =	simm.s32 $0x1A800;
	[tilespmem:s22+$0x0] =	vst v3;
	v7 =	vld [tilespmem:s9+$0x19480];
	v8 =	vadd.f32 v10, v8  }
0xce: {  	s15 =	simm.s32 $0x1AA00;
	v3 =	vld [tilespmem:s16+$0x19080];
	[tilespmem:s24+$0x0] =	vst v9;
	v10 =	vsub.f32 $0.0e+00, v9  }
0xcf: {  	s20 =	simm.s32 $0x1AC00;
	v9 =	vld.idx.msk [tilespmem:v1+s3+$0x0], $0xffff;
	v63 =	vsub.f32 $0.0e+00, v8;
	[tilespmem:s15+$0x0] =	vst v8  }
0xd0: {  	s14 =	simm.s32 $0x1AE00;
	v11 =	vsub.f32 v12, v14;
	v12 =	vsub.f32 v13, v15;
	v8 =	vld.idx.msk [tilespmem:v1+s23+$0x0], $0xffff;
	[tilespmem:s20+$0x0] =	vst v10  }
0xd1: {  	s31 =	sadd.s32 s31, s17;
	s19 =	simm.s32 $0x80;
	v10 =	vld.idx.msk [tilespmem:v0+s3+$0x0], $0xffff;
	[tilespmem:s14+$0x0] =	vst v63  }
.LBB2_5:
0xd2: {  	p1 =	sne.s32 s19, $0x3E0;
	s25 =	sadd.s32 $0x10, s25;
	v13 =	vld.idx.msk [tilespmem:v0+s23+$0x0], $0xffff;
	v14 =	vmul.f32 v11, v6;
	v15 =	vmul.f32 v12, v7;
	v16 =	vmovc v2;
	v17 =	vmov v2  }
0xd3: {  	s7 =	sand.u32 $0x300, s19;
	v19 =	vmul.f32 v12, v6;
	v11 =	vmul.f32 v11, v7;
	s28 =	sadd.s32 $0x10, s28;
	s9 =	sand.u32 $0x70, s25;
	v6 =	vld [tilespmem:s26+$0x19400];
	v18 =	vmov v3  }
0xd4: {  	s22 =	sadd.s32 $0x10, s22;
	v7 =	vld [tilespmem:s26+$0x19480];
	v14 =	vsub.f32 v14, v15;
	[tilespmem:s28+$0x0] =	vst v5;
	v5 =	vmov v1;
	v1 =	vmov v2;
	s26 =	smov.u32 s16;
	s16 =	sor.u32 s9, s7  }
.Ltmp3:
0xd5: {  	s24 =	sadd.s32 $0x10, s24;
	v11 =	vadd.f32 v19, v11;
	v12 =	vmovc v9;
	v2 =	vld [tilespmem:s16+$0x19000];
	[tilespmem:s22+$0x0] =	vst v4;
	v4 =	vmov v0;
	v0 =	vmov v3;
	(pc) =	sbr.rel @p1 .LBB2_5-.Ltmp3, $4  }
0xd6: {  	s15 =	sadd.s32 $0x10, s15;
	v3 =	vld [tilespmem:s16+$0x19080];
	[tilespmem:s24+$0x0] =	vst v14;
	v14 =	vsub.f32 $0.0e+00, v14  }
0xd7: {  	s20 =	sadd.s32 $0x10, s20;
	v15 =	vsub.f32 $0.0e+00, v11;
	v9 =	vld.idx.msk [tilespmem:v17+s3+$0x0], $0xffff;
	[tilespmem:s15+$0x0] =	vst v11  }
0xd8: {  	s14 =	sadd.s32 $0x10, s14;
	v11 =	vsub.f32 v12, v10;
	v12 =	vsub.f32 v8, v13;
	v8 =	vld.idx.msk [tilespmem:v16+s23+$0x0], $0xffff;
	[tilespmem:s20+$0x0] =	vst v14  }
0xd9: {  	s19 =	sadd.s32 $0x20, s19;
	v10 =	vld.idx.msk [tilespmem:v18+s3+$0x0], $0xffff;
	[tilespmem:s14+$0x0] =	vst v15  }
0xda: {  	_ =	sdelay $0x3  }
0xdb: {  	v13 =	vld.idx.msk [tilespmem:v0+s23+$0x0], $0xffff  }
0xdc: {  	v16 =	vld [tilespmem:s26+$0x19400]  }
0xdd: {  	v42 =	vld [tilespmem:s26+$0x19480]  }
0xde: {  	s7 =	sadd.s32 $0x10, s28;
	v45 =	vld.idx.msk [tilespmem:v2+s3+$0x0], $0xffff  }
0xdf: {  	v14 =	vmul.f32 v11, v6;
	v15 =	vmul.f32 v12, v7;
	s9 =	sadd.s32 $0x10, s22;
	v46 =	vld.idx.msk [tilespmem:v2+s23+$0x0], $0xffff;
	[tilespmem:s7+$0x0] =	vst v5  }
0xe0: {  	v40 =	vmul.f32 v12, v6;
	v41 =	vmul.f32 v11, v7;
	v53 =	vld [tilespmem:s16+$0x19400];
	s7 =	sadd.s32 $0x10, s7;
	[tilespmem:s9+$0x0] =	vst v4  }
0xe1: {  	v49 =	vld.idx.msk [tilespmem:v3+s3+$0x0], $0xffff;
	[tilespmem:s7+$0x0] =	vst v1;
	s9 =	sadd.s32 $0x10, s9  }
0xe2: {  	v50 =	vld.idx.msk [tilespmem:v3+s23+$0x0], $0xffff;
	v43 =	vsub.f32 v14, v15;
	v44 =	vadd.f32 v40, v41;
	s7 =	sadd.s32 $0x10, s7;
	[tilespmem:s9+$0x0] =	vst v0  }
0xe3: {  	s19 =	sadd.s32 $0x10, s24;
	v55 =	vld [tilespmem:s16+$0x19480];
	[tilespmem:s7+$0x0] =	vst v2;
	v47 =	vsub.f32 v9, v10;
	v8 =	vsub.f32 v8, v13  }
0xe4: {  	s9 =	sadd.s32 $0x10, s9;
	[tilespmem:s19+$0x0] =	vst v43;
	v48 =	vsub.f32 $0.0e+00, v43  }
0xe5: {  	s15 =	sadd.s32 $0x10, s15;
	v5 =	vsub.f32 $0.0e+00, v44;
	[tilespmem:s9+$0x0] =	vst v3;
	v51 =	vmul.f32 v47, v16;
	v52 =	vmul.f32 v8, v42  }
0xe6: {  	s20 =	sadd.s32 $0x10, s20;
	[tilespmem:s15+$0x0] =	vst v44;
	v7 =	vmul.f32 v47, v42;
	v59 =	vsub.f32 v45, v49;
	v54 =	vmul.f32 v8, v16  }
0xe7: {  	s14 =	sadd.s32 $0x10, s14;
	[tilespmem:s20+$0x0] =	vst v48;
	v4 =	vsub.f32 v46, v50;
	v56 =	vsub.f32 v51, v52  }
0xe8: {  	s28 =	sadd.s32 $0x10, s19;
	[tilespmem:s14+$0x0] =	vst v5;
	v57 =	vadd.f32 v54, v7  }
0xe9: {  	s15 =	sadd.s32 $0x10, s15;
	v60 =	vmul.f32 v59, v53;
	v61 =	vmul.f32 v4, v55;
	v58 =	vsub.f32 $0.0e+00, v56;
	[tilespmem:s28+$0x0] =	vst v56  }
0xea: {  	s30 =	sadd.s32 $0x10, s20;
	v62 =	vmul.f32 v4, v53;
	v63 =	vmul.f32 v59, v55;
	v1 =	vsub.f32 $0.0e+00, v57;
	[tilespmem:s15+$0x0] =	vst v57  }
0xeb: {  	s14 =	sadd.s32 $0x10, s14;
	v0 =	vsub.f32 v60, v61;
	[tilespmem:s30+$0x0] =	vst v58  }
0xec: {  	s16 =	sadd.s32 $0x10, s28;
	[tilespmem:s14+$0x0] =	vst v1;
	v1 =	vadd.f32 v62, v63  }
0xed: {  	s20 =	sadd.s32 $0x10, s15;
	[tilespmem:s16+$0x0] =	vst v0;
	v0 =	vsub.f32 $0.0e+00, v0  }
0xee: {  	s22 =	sadd.s32 $0x10, s30;
	[tilespmem:s20+$0x0] =	vst v1;
	v1 =	vsub.f32 $0.0e+00, v1  }
0xef: {  	s24 =	sadd.s32 $0x10, s14;
	[tilespmem:s22+$0x0] =	vst v0  }
0xf0: {  	s25 =	simm.s32 $0x1A800;
	[tilespmem:s24+$0x0] =	vst v1  }
0xf1: {  	[spmem:s1] =	stream.indirect.scatter.add.f32 [tilespmem:s25], [sflag:$0x5], $0x1, s13, s6, $0xb8;
	[tilespmem:$0x1E180] =	vst v63  }
0xf2: {  	s26 =	simm.s32 $0x1AA00;
	p1 =	seq.s32 s29, $0x2F  }
0xf3: {  	[spmem:s2] =	stream.indirect.scatter.add.f32 [tilespmem:s26], [sflag:$0x5], $0x1, s13, s6, $0xb8;
	[tilespmem:$0x1E180] =	vst v63  }
.Ltmp4:
0xf4: {  	_ = 	snop;
	(pc) =	sbr.rel @p1 .LBB2_8-.Ltmp4, $4  }
0xf5: {  	s28 =	simm.s32 $0x1AC00  }
0xf6: {  	[spmem:s1] =	stream.indirect.scatter.add.f32 [tilespmem:s28], [sflag:$0x5], $0x1, s21, s6, $0xb8;
	[tilespmem:$0x1E180] =	vst v63  }
0xf7: {  	s30 =	simm.s32 $0x1AE00  }
0xf8: {  	[spmem:s2] =	stream.indirect.scatter.add.f32 [tilespmem:s30], [sflag:$0x5], $0x1, s21, s6, $0xb8;
	[tilespmem:$0x1E180] =	vst v63  }
0xf9: {  	s7 =	sshll.u32 s31, $0x7  }
.Ltmp5:
0xfa: {  	s7 =	sadd.s32 $0x100, s7;
	(pc) =	sbr.rel .LBB2_2-.Ltmp5, $4  }
0xfb: {  	s14 =	simm.s32 $0x19000;
	s9 =	sadd.s32 s4, s7  }
0xfc: {  	[tilespmem:s14], [sflag:$0x3] =	stream.linear.gather [hbm4b:s9+s3], $0x400, $0x38;
	[tilespmem:$0x1E180] =	vst v63  }
0xfd: {  	s31 =	simm.s32 $0x19400;
	s29 =	sadd.s32 $0x1, s29;
	s7 =	sadd.s32 s5, s7  }
0xfe: {  	[tilespmem:s31], [sflag:$0x3] =	stream.linear.gather [hbm4b:s7+s3], $0x400, $0x38;
	[tilespmem:$0x1E180] =	vst v63  }
.LBB2_8:
0xff: {  	_ =	swait.ge [sflag:s0], $0x400  }
0x100: {  	[sflag:s0] =	ssyncset.done $0x0  }
0x101: {  	[sflag:s0] =	ssyncadd.s32 $0xFFFFFC00  }
0x102: {  	_ =	swait.ge [sflag:s0], $0x400  }
0x103: {  	[sflag:s0] =	ssyncset.done $0x0  }
0x104: {  	s29 =	simm.s32 $0x4;
	[sflag:s0] =	ssyncadd.s32 $0xFFFFFC00  }
0x105: {  	_ =	swait.ge [sflag:s29], $0x200  }
0x106: {  	[sflag:s29] =	ssyncset.done $0x0  }
0x107: {  	[sflag:s29] =	ssyncadd.s32 $0xFFFFFE00  }
0x108: {  	_ =	swait.ge [sflag:s29], $0x200  }
0x109: {  	[sflag:s29] =	ssyncset.done $0x0  }
0x10a: {  	[sflag:s29] =	ssyncadd.s32 $0xFFFFFE00  }
0x10b: {  	_ =	swait.ge [sflag:s29], $0x200  }
0x10c: {  	[sflag:s29] =	ssyncset.done $0x0  }
0x10d: {  	[sflag:s29] =	ssyncadd.s32 $0xFFFFFE00  }
0x10e: {  	s7 =	simm.s32 $0x0;
	_ =	swait.ge [sflag:s29], $0x200  }
0x10f: {  	s9 =	sand.u32 $0x300, s7;
	s7 =	sand.u32 $0x70, s7;
	[sflag:s29] =	ssyncset.done $0x0  }
0x110: {  	s7 =	sor.u32 s7, s9;
	[sflag:s29] =	ssyncadd.s32 $0xFFFFFE00  }
0x111: {  	v2 =	vld [tilespmem:s7+$0x18800];
	_ =	sdelay $0x1  }
0x112: {  	s25 =	simm.s32 $0x20;
	s14 =	simm.s32 $0x10;
	v3 =	vld [tilespmem:s7+$0x18880]  }
0x113: {  	s14 =	sand.u32 $0x70, s14;
	s9 =	sand.u32 $0x300, s25  }
0x114: {  	s9 =	sor.u32 s14, s9  }
0x115: {  	v5 =	vld [tilespmem:s9+$0x18800]  }
0x116: {  	v4 =	vld [tilespmem:s9+$0x18880]  }
0x117: {  	v10 =	vld [tilespmem:s7+$0x18C00]  }
0x118: {  	v6 =	vld.idx.msk [tilespmem:v2+s3+$0x0], $0xffff  }
0x119: {  	v7 =	vld.idx.msk [tilespmem:v2+s23+$0x0], $0xffff  }
0x11a: {  	s26 =	simm.s32 $0x40;
	s15 =	simm.s32 $0x20;
	v8 =	vld.idx.msk [tilespmem:v3+s3+$0x0], $0xffff  }
0x11b: {  	s15 =	sand.u32 $0x70, s15;
	s14 =	sand.u32 $0x300, s26;
	v9 =	vld.idx.msk [tilespmem:v3+s23+$0x0], $0xffff  }
0x11c: {  	s26 =	sor.u32 s15, s14;
	v11 =	vld [tilespmem:s7+$0x18C80]  }
0x11d: {  	v1 =	vld [tilespmem:s26+$0x18800]  }
0x11e: {  	v0 =	vld [tilespmem:s26+$0x18880]  }
0x11f: {  	v12 =	vld.idx.msk [tilespmem:v5+s3+$0x0], $0xffff  }
0x120: {  	s30 =	simm.s32 $0x60;
	s28 =	simm.s32 $0x30;
	v13 =	vld.idx.msk [tilespmem:v5+s23+$0x0], $0xffff;
	v8 =	vsub.f32 v6, v8;
	v7 =	vsub.f32 v7, v9  }
0x121: {  	s31 =	sand.u32 $0x70, s28;
	s7 =	sand.u32 $0x300, s30;
	v14 =	vld.idx.msk [tilespmem:v4+s3+$0x0], $0xffff  }
0x122: {  	s14 =	simm.s32 $0x19800;
	s16 =	sor.u32 s31, s7;
	v15 =	vld.idx.msk [tilespmem:v4+s23+$0x0], $0xffff;
	v9 =	vmul.f32 v8, v10;
	v16 =	vmul.f32 v7, v11  }
0x123: {  	[tilespmem:s14+$0x0] =	vst v2;
	v2 =	vld [tilespmem:s16+$0x18800];
	v10 =	vmul.f32 v7, v10;
	v8 =	vmul.f32 v8, v11  }
0x124: {  	s24 =	simm.s32 $0x19A00;
	v6 =	vld [tilespmem:s9+$0x18C00];
	v9 =	vsub.f32 v9, v16  }
0x125: {  	s25 =	simm.s32 $0x19C00;
	[tilespmem:s24+$0x0] =	vst v3;
	v7 =	vld [tilespmem:s9+$0x18C80];
	v8 =	vadd.f32 v10, v8  }
0x126: {  	s20 =	simm.s32 $0x19E00;
	v3 =	vld [tilespmem:s16+$0x18880];
	[tilespmem:s25+$0x0] =	vst v9;
	v10 =	vsub.f32 $0.0e+00, v9  }
0x127: {  	s22 =	simm.s32 $0x1A000;
	v9 =	vld.idx.msk [tilespmem:v1+s3+$0x0], $0xffff;
	v63 =	vsub.f32 $0.0e+00, v8;
	[tilespmem:s20+$0x0] =	vst v8  }
0x128: {  	s15 =	simm.s32 $0x1A200;
	v11 =	vsub.f32 v12, v14;
	v12 =	vsub.f32 v13, v15;
	v8 =	vld.idx.msk [tilespmem:v1+s23+$0x0], $0xffff;
	[tilespmem:s22+$0x0] =	vst v10  }
0x129: {  	s19 =	simm.s32 $0x80;
	v10 =	vld.idx.msk [tilespmem:v0+s3+$0x0], $0xffff;
	[tilespmem:s15+$0x0] =	vst v63  }
.LBB2_9:
0x12a: {  	p1 =	sne.s32 s19, $0x3E0;
	s28 =	sadd.s32 $0x10, s28;
	v13 =	vld.idx.msk [tilespmem:v0+s23+$0x0], $0xffff;
	v14 =	vmul.f32 v11, v6;
	v15 =	vmul.f32 v12, v7;
	v16 =	vmovc v2;
	v17 =	vmov v2  }
0x12b: {  	s7 =	sand.u32 $0x300, s19;
	v19 =	vmul.f32 v12, v6;
	v11 =	vmul.f32 v11, v7;
	s14 =	sadd.s32 $0x10, s14;
	s9 =	sand.u32 $0x70, s28;
	v6 =	vld [tilespmem:s26+$0x18C00];
	v18 =	vmov v3  }
0x12c: {  	s24 =	sadd.s32 $0x10, s24;
	v7 =	vld [tilespmem:s26+$0x18C80];
	v14 =	vsub.f32 v14, v15;
	[tilespmem:s14+$0x0] =	vst v5;
	v5 =	vmov v1;
	v1 =	vmov v2;
	s26 =	smov.u32 s16;
	s16 =	sor.u32 s9, s7  }
.Ltmp6:
0x12d: {  	s25 =	sadd.s32 $0x10, s25;
	v11 =	vadd.f32 v19, v11;
	v12 =	vmovc v9;
	v2 =	vld [tilespmem:s16+$0x18800];
	[tilespmem:s24+$0x0] =	vst v4;
	v4 =	vmov v0;
	v0 =	vmov v3;
	(pc) =	sbr.rel @p1 .LBB2_9-.Ltmp6, $4  }
0x12e: {  	s20 =	sadd.s32 $0x10, s20;
	v3 =	vld [tilespmem:s16+$0x18880];
	[tilespmem:s25+$0x0] =	vst v14;
	v14 =	vsub.f32 $0.0e+00, v14  }
0x12f: {  	s22 =	sadd.s32 $0x10, s22;
	v15 =	vsub.f32 $0.0e+00, v11;
	v9 =	vld.idx.msk [tilespmem:v17+s3+$0x0], $0xffff;
	[tilespmem:s20+$0x0] =	vst v11  }
0x130: {  	s15 =	sadd.s32 $0x10, s15;
	v11 =	vsub.f32 v12, v10;
	v12 =	vsub.f32 v8, v13;
	v8 =	vld.idx.msk [tilespmem:v16+s23+$0x0], $0xffff;
	[tilespmem:s22+$0x0] =	vst v14  }
0x131: {  	s19 =	sadd.s32 $0x20, s19;
	v10 =	vld.idx.msk [tilespmem:v18+s3+$0x0], $0xffff;
	[tilespmem:s15+$0x0] =	vst v15  }
0x132: {  	_ =	sdelay $0x3  }
0x133: {  	v13 =	vld.idx.msk [tilespmem:v0+s23+$0x0], $0xffff  }
0x134: {  	v16 =	vld [tilespmem:s26+$0x18C00]  }
0x135: {  	v42 =	vld [tilespmem:s26+$0x18C80]  }
0x136: {  	s7 =	sadd.s32 $0x10, s14;
	v45 =	vld.idx.msk [tilespmem:v2+s3+$0x0], $0xffff  }
0x137: {  	v14 =	vmul.f32 v11, v6;
	v15 =	vmul.f32 v12, v7;
	s9 =	sadd.s32 $0x10, s24;
	v46 =	vld.idx.msk [tilespmem:v2+s23+$0x0], $0xffff;
	[tilespmem:s7+$0x0] =	vst v5  }
0x138: {  	v40 =	vmul.f32 v12, v6;
	v41 =	vmul.f32 v11, v7;
	v53 =	vld [tilespmem:s16+$0x18C00];
	s7 =	sadd.s32 $0x10, s7;
	[tilespmem:s9+$0x0] =	vst v4  }
0x139: {  	v49 =	vld.idx.msk [tilespmem:v3+s3+$0x0], $0xffff;
	[tilespmem:s7+$0x0] =	vst v1;
	s9 =	sadd.s32 $0x10, s9  }
0x13a: {  	v50 =	vld.idx.msk [tilespmem:v3+s23+$0x0], $0xffff;
	v43 =	vsub.f32 v14, v15;
	v44 =	vadd.f32 v40, v41;
	s7 =	sadd.s32 $0x10, s7;
	[tilespmem:s9+$0x0] =	vst v0  }
0x13b: {  	s26 =	sadd.s32 $0x10, s25;
	v55 =	vld [tilespmem:s16+$0x18C80];
	[tilespmem:s7+$0x0] =	vst v2;
	v47 =	vsub.f32 v9, v10;
	v8 =	vsub.f32 v8, v13  }
0x13c: {  	s9 =	sadd.s32 $0x10, s9;
	[tilespmem:s26+$0x0] =	vst v43;
	v48 =	vsub.f32 $0.0e+00, v43  }
0x13d: {  	s19 =	sadd.s32 $0x10, s20;
	v5 =	vsub.f32 $0.0e+00, v44;
	[tilespmem:s9+$0x0] =	vst v3;
	v51 =	vmul.f32 v47, v16;
	v52 =	vmul.f32 v8, v42  }
0x13e: {  	s28 =	sadd.s32 $0x10, s22;
	[tilespmem:s19+$0x0] =	vst v44;
	v7 =	vmul.f32 v47, v42;
	v59 =	vsub.f32 v45, v49;
	v54 =	vmul.f32 v8, v16  }
0x13f: {  	s15 =	sadd.s32 $0x10, s15;
	[tilespmem:s28+$0x0] =	vst v48;
	v4 =	vsub.f32 v46, v50;
	v56 =	vsub.f32 v51, v52  }
0x140: {  	s14 =	sadd.s32 $0x10, s26;
	[tilespmem:s15+$0x0] =	vst v5;
	v57 =	vadd.f32 v54, v7  }
0x141: {  	s30 =	sadd.s32 $0x10, s19;
	v60 =	vmul.f32 v59, v53;
	v61 =	vmul.f32 v4, v55;
	v58 =	vsub.f32 $0.0e+00, v56;
	[tilespmem:s14+$0x0] =	vst v56  }
0x142: {  	s31 =	sadd.s32 $0x10, s28;
	v62 =	vmul.f32 v4, v53;
	v63 =	vmul.f32 v59, v55;
	v1 =	vsub.f32 $0.0e+00, v57;
	[tilespmem:s30+$0x0] =	vst v57  }
0x143: {  	s15 =	sadd.s32 $0x10, s15;
	v0 =	vsub.f32 v60, v61;
	[tilespmem:s31+$0x0] =	vst v58  }
0x144: {  	s20 =	sadd.s32 $0x10, s14;
	[tilespmem:s15+$0x0] =	vst v1;
	v1 =	vadd.f32 v62, v63  }
0x145: {  	s22 =	sadd.s32 $0x10, s30;
	[tilespmem:s20+$0x0] =	vst v0;
	v0 =	vsub.f32 $0.0e+00, v0  }
0x146: {  	s24 =	sadd.s32 $0x10, s31;
	[tilespmem:s22+$0x0] =	vst v1;
	v1 =	vsub.f32 $0.0e+00, v1  }
0x147: {  	s25 =	sadd.s32 $0x10, s15;
	[tilespmem:s24+$0x0] =	vst v0  }
0x148: {  	s26 =	simm.s32 $0x19C00;
	[tilespmem:s25+$0x0] =	vst v1  }
0x149: {  	[spmem:s1] =	stream.indirect.scatter.add.f32 [tilespmem:s26], [sflag:$0x4], $0x1, s18, s6, $0xb8;
	[tilespmem:$0x1E180] =	vst v63  }
0x14a: {  	s28 =	simm.s32 $0x19E00  }
0x14b: {  	[spmem:s2] =	stream.indirect.scatter.add.f32 [tilespmem:s28], [sflag:$0x4], $0x1, s18, s6, $0xb8;
	[tilespmem:$0x1E180] =	vst v63  }
0x14c: {  	s30 =	simm.s32 $0x1A000  }
0x14d: {  	[spmem:s1] =	stream.indirect.scatter.add.f32 [tilespmem:s30], [sflag:$0x4], $0x1, s8, s6, $0xb8;
	[tilespmem:$0x1E180] =	vst v63  }
0x14e: {  	_ = 	snop  }
0x14f: {  	[spmem:s2] =	stream.indirect.scatter.add.f32 [tilespmem:s11], [sflag:$0x4], $0x1, s8, s6, $0xb8;
	[tilespmem:$0x1E180] =	vst v63  }
0x150: {  	_ =	swait.ge [sflag:s29], $0x200  }
0x151: {  	[sflag:s29] =	ssyncset.done $0x0  }
0x152: {  	[sflag:s29] =	ssyncadd.s32 $0xFFFFFE00  }
0x153: {  	_ =	swait.ge [sflag:s29], $0x200  }
0x154: {  	[sflag:s29] =	ssyncset.done $0x0  }
0x155: {  	[sflag:s29] =	ssyncadd.s32 $0xFFFFFE00  }
0x156: {  	_ =	swait.ge [sflag:s29], $0x200  }
0x157: {  	[sflag:s29] =	ssyncset.done $0x0  }
0x158: {  	[sflag:s29] =	ssyncadd.s32 $0xFFFFFE00  }
0x159: {  	_ =	swait.ge [sflag:s29], $0x200  }
0x15a: {  	[sflag:s29] =	ssyncset.done $0x0  }
0x15b: {  	s31 =	simm.s32 $0x5;
	[sflag:s29] =	ssyncadd.s32 $0xFFFFFE00  }
0x15c: {  	_ =	swait.ge [sflag:s31], $0x200  }
0x15d: {  	[sflag:s31] =	ssyncset.done $0x0  }
0x15e: {  	[sflag:s31] =	ssyncadd.s32 $0xFFFFFE00  }
0x15f: {  	_ =	swait.ge [sflag:s31], $0x200  }
0x160: {  	[sflag:s31] =	ssyncset.done $0x0  }
0x161: {  	[sflag:s31] =	ssyncadd.s32 $0xFFFFFE00  }
0x162: {  	_ =	swait.ge [sflag:s31], $0x200  }
.Ltmp7:
0x163: {  	[sflag:s31] =	ssyncset.done $0x0;
	(pc) =	sbr.rel @p0 .LBB2_14-.Ltmp7, $4  }
0x164: {  	[sflag:s31] =	ssyncadd.s32 $0xFFFFFE00  }
0x165: {  	_ =	swait.ge [sflag:s31], $0x200  }
0x166: {  	[sflag:s31] =	ssyncset.done $0x0  }
0x167: {  	s20 =	rddreg [dreg:$0x12];
	[sflag:s31] =	ssyncadd.s32 $0xFFFFFE00  }
0x168: {  	s7 =	simm.s32 $0x0;
	s9 =	rddreg [dreg:$0xd];
	s14 =	simm.s32 $0x18800  }
0x169: {  	[tilespmem:s14], [sflag:$0x2] =	stream.linear.gather [hbm4b:s9+s7], $0x400, $0x38;
	[tilespmem:$0x1E180] =	vst v63  }
0x16a: {  	s19 =	rddreg [dreg:$0xe];
	s20 =	simm.s32 $0x18C00  }
0x16b: {  	[tilespmem:s20], [sflag:$0x2] =	stream.linear.gather [hbm4b:s19+s7], $0x400, $0x38;
	[tilespmem:$0x1E180] =	vst v63  }
0x16c: {  	_ =	swait.ge [sflag:s0], $0x400  }
0x16d: {  	[sflag:s0] =	ssyncset.done $0x0  }
0x16e: {  	[sflag:s0] =	ssyncadd.s32 $0xFFFFFC00  }
0x16f: {  	_ =	swait.ge [sflag:s0], $0x400  }
0x170: {  	s22 =	sand.u32 $0x300, s7;
	s7 =	sand.u32 $0x70, s7;
	[sflag:s0] =	ssyncset.done $0x0  }
0x171: {  	s7 =	sor.u32 s7, s22;
	[sflag:s0] =	ssyncadd.s32 $0xFFFFFC00  }
0x172: {  	v2 =	vld [tilespmem:s7+$0x18800];
	_ =	sdelay $0x1  }
0x173: {  	s24 =	simm.s32 $0x20;
	s25 =	simm.s32 $0x10;
	v3 =	vld [tilespmem:s7+$0x18880]  }
0x174: {  	s9 =	sand.u32 $0x300, s24;
	s14 =	sand.u32 $0x70, s25  }
0x175: {  	s9 =	sor.u32 s14, s9  }
0x176: {  	v5 =	vld [tilespmem:s9+$0x18800]  }
0x177: {  	v4 =	vld [tilespmem:s9+$0x18880]  }
0x178: {  	v10 =	vld [tilespmem:s7+$0x18C00]  }
0x179: {  	v6 =	vld.idx.msk [tilespmem:v2+s3+$0x0], $0xffff  }
0x17a: {  	v7 =	vld.idx.msk [tilespmem:v2+s23+$0x0], $0xffff  }
0x17b: {  	s26 =	simm.s32 $0x40;
	s15 =	simm.s32 $0x20;
	v8 =	vld.idx.msk [tilespmem:v3+s3+$0x0], $0xffff  }
0x17c: {  	s15 =	sand.u32 $0x70, s15;
	s14 =	sand.u32 $0x300, s26;
	v9 =	vld.idx.msk [tilespmem:v3+s23+$0x0], $0xffff  }
0x17d: {  	s26 =	sor.u32 s15, s14;
	v11 =	vld [tilespmem:s7+$0x18C80]  }
0x17e: {  	v1 =	vld [tilespmem:s26+$0x18800]  }
0x17f: {  	v0 =	vld [tilespmem:s26+$0x18880]  }
0x180: {  	v12 =	vld.idx.msk [tilespmem:v5+s3+$0x0], $0xffff  }
0x181: {  	s30 =	simm.s32 $0x60;
	s28 =	simm.s32 $0x30;
	v13 =	vld.idx.msk [tilespmem:v5+s23+$0x0], $0xffff;
	v8 =	vsub.f32 v6, v8;
	v7 =	vsub.f32 v7, v9  }
0x182: {  	s31 =	sand.u32 $0x70, s28;
	s7 =	sand.u32 $0x300, s30;
	v14 =	vld.idx.msk [tilespmem:v4+s3+$0x0], $0xffff  }
0x183: {  	s14 =	simm.s32 $0x19800;
	s16 =	sor.u32 s31, s7;
	v15 =	vld.idx.msk [tilespmem:v4+s23+$0x0], $0xffff;
	v9 =	vmul.f32 v8, v10;
	v16 =	vmul.f32 v7, v11  }
0x184: {  	[tilespmem:s14+$0x0] =	vst v2;
	v2 =	vld [tilespmem:s16+$0x18800];
	v10 =	vmul.f32 v7, v10;
	v8 =	vmul.f32 v8, v11  }
0x185: {  	s24 =	simm.s32 $0x19A00;
	v6 =	vld [tilespmem:s9+$0x18C00];
	v9 =	vsub.f32 v9, v16  }
0x186: {  	s25 =	simm.s32 $0x19C00;
	[tilespmem:s24+$0x0] =	vst v3;
	v7 =	vld [tilespmem:s9+$0x18C80];
	v8 =	vadd.f32 v10, v8  }
0x187: {  	s20 =	simm.s32 $0x19E00;
	v3 =	vld [tilespmem:s16+$0x18880];
	[tilespmem:s25+$0x0] =	vst v9;
	v10 =	vsub.f32 $0.0e+00, v9  }
0x188: {  	s22 =	simm.s32 $0x1A000;
	v9 =	vld.idx.msk [tilespmem:v1+s3+$0x0], $0xffff;
	v63 =	vsub.f32 $0.0e+00, v8;
	[tilespmem:s20+$0x0] =	vst v8  }
0x189: {  	s15 =	simm.s32 $0x1A200;
	v11 =	vsub.f32 v12, v14;
	v12 =	vsub.f32 v13, v15;
	v8 =	vld.idx.msk [tilespmem:v1+s23+$0x0], $0xffff;
	[tilespmem:s22+$0x0] =	vst v10  }
0x18a: {  	s19 =	simm.s32 $0x80;
	v10 =	vld.idx.msk [tilespmem:v0+s3+$0x0], $0xffff;
	[tilespmem:s15+$0x0] =	vst v63  }
.LBB2_12:
0x18b: {  	p1 =	sne.s32 s19, $0x3E0;
	s28 =	sadd.s32 $0x10, s28;
	v13 =	vld.idx.msk [tilespmem:v0+s23+$0x0], $0xffff;
	v14 =	vmul.f32 v11, v6;
	v15 =	vmul.f32 v12, v7;
	v16 =	vmovc v2;
	v17 =	vmov v2  }
0x18c: {  	s7 =	sand.u32 $0x300, s19;
	v19 =	vmul.f32 v12, v6;
	v11 =	vmul.f32 v11, v7;
	s14 =	sadd.s32 $0x10, s14;
	s9 =	sand.u32 $0x70, s28;
	v6 =	vld [tilespmem:s26+$0x18C00];
	v18 =	vmov v3  }
0x18d: {  	s24 =	sadd.s32 $0x10, s24;
	v7 =	vld [tilespmem:s26+$0x18C80];
	v14 =	vsub.f32 v14, v15;
	[tilespmem:s14+$0x0] =	vst v5;
	v5 =	vmov v1;
	v1 =	vmov v2;
	s26 =	smov.u32 s16;
	s16 =	sor.u32 s9, s7  }
.Ltmp8:
0x18e: {  	s25 =	sadd.s32 $0x10, s25;
	v11 =	vadd.f32 v19, v11;
	v12 =	vmovc v9;
	v2 =	vld [tilespmem:s16+$0x18800];
	[tilespmem:s24+$0x0] =	vst v4;
	v4 =	vmov v0;
	v0 =	vmov v3;
	(pc) =	sbr.rel @p1 .LBB2_12-.Ltmp8, $4  }
0x18f: {  	s20 =	sadd.s32 $0x10, s20;
	v3 =	vld [tilespmem:s16+$0x18880];
	[tilespmem:s25+$0x0] =	vst v14;
	v14 =	vsub.f32 $0.0e+00, v14  }
0x190: {  	s22 =	sadd.s32 $0x10, s22;
	v15 =	vsub.f32 $0.0e+00, v11;
	v9 =	vld.idx.msk [tilespmem:v17+s3+$0x0], $0xffff;
	[tilespmem:s20+$0x0] =	vst v11  }
0x191: {  	s15 =	sadd.s32 $0x10, s15;
	v11 =	vsub.f32 v12, v10;
	v12 =	vsub.f32 v8, v13;
	v8 =	vld.idx.msk [tilespmem:v16+s23+$0x0], $0xffff;
	[tilespmem:s22+$0x0] =	vst v14  }
0x192: {  	s19 =	sadd.s32 $0x20, s19;
	v10 =	vld.idx.msk [tilespmem:v18+s3+$0x0], $0xffff;
	[tilespmem:s15+$0x0] =	vst v15  }
0x193: {  	_ =	sdelay $0x3  }
0x194: {  	v13 =	vld.idx.msk [tilespmem:v0+s23+$0x0], $0xffff  }
0x195: {  	v16 =	vld [tilespmem:s26+$0x18C00]  }
0x196: {  	v42 =	vld [tilespmem:s26+$0x18C80]  }
0x197: {  	s7 =	sadd.s32 $0x10, s14;
	v45 =	vld.idx.msk [tilespmem:v2+s3+$0x0], $0xffff  }
0x198: {  	v14 =	vmul.f32 v11, v6;
	v15 =	vmul.f32 v12, v7;
	s9 =	sadd.s32 $0x10, s24;
	v46 =	vld.idx.msk [tilespmem:v2+s23+$0x0], $0xffff;
	[tilespmem:s7+$0x0] =	vst v5  }
0x199: {  	v40 =	vmul.f32 v12, v6;
	v41 =	vmul.f32 v11, v7;
	v53 =	vld [tilespmem:s16+$0x18C00];
	s7 =	sadd.s32 $0x10, s7;
	[tilespmem:s9+$0x0] =	vst v4  }
0x19a: {  	v49 =	vld.idx.msk [tilespmem:v3+s3+$0x0], $0xffff;
	[tilespmem:s7+$0x0] =	vst v1;
	s9 =	sadd.s32 $0x10, s9  }
0x19b: {  	v50 =	vld.idx.msk [tilespmem:v3+s23+$0x0], $0xffff;
	v43 =	vsub.f32 v14, v15;
	v44 =	vadd.f32 v40, v41;
	s7 =	sadd.s32 $0x10, s7;
	[tilespmem:s9+$0x0] =	vst v0  }
0x19c: {  	s26 =	sadd.s32 $0x10, s25;
	v55 =	vld [tilespmem:s16+$0x18C80];
	[tilespmem:s7+$0x0] =	vst v2;
	v47 =	vsub.f32 v9, v10;
	v8 =	vsub.f32 v8, v13  }
0x19d: {  	s19 =	sadd.s32 $0x10, s20;
	s20 =	sadd.s32 $0x10, s9;
	[tilespmem:s26+$0x0] =	vst v43;
	v48 =	vsub.f32 $0.0e+00, v43  }
0x19e: {  	v5 =	vsub.f32 $0.0e+00, v44;
	[tilespmem:s20+$0x0] =	vst v3;
	v51 =	vmul.f32 v47, v16;
	v52 =	vmul.f32 v8, v42  }
0x19f: {  	s28 =	sadd.s32 $0x10, s22;
	[tilespmem:s19+$0x0] =	vst v44;
	v7 =	vmul.f32 v47, v42;
	v59 =	vsub.f32 v45, v49;
	v54 =	vmul.f32 v8, v16  }
0x1a0: {  	s15 =	sadd.s32 $0x10, s15;
	[tilespmem:s28+$0x0] =	vst v48;
	v4 =	vsub.f32 v46, v50;
	v56 =	vsub.f32 v51, v52  }
0x1a1: {  	s14 =	sadd.s32 $0x10, s26;
	[tilespmem:s15+$0x0] =	vst v5;
	v57 =	vadd.f32 v54, v7  }
0x1a2: {  	s30 =	sadd.s32 $0x10, s19;
	v60 =	vmul.f32 v59, v53;
	v61 =	vmul.f32 v4, v55;
	v58 =	vsub.f32 $0.0e+00, v56;
	[tilespmem:s14+$0x0] =	vst v56  }
0x1a3: {  	s31 =	sadd.s32 $0x10, s28;
	v62 =	vmul.f32 v4, v53;
	v63 =	vmul.f32 v59, v55;
	v1 =	vsub.f32 $0.0e+00, v57;
	[tilespmem:s30+$0x0] =	vst v57  }
0x1a4: {  	s15 =	sadd.s32 $0x10, s15;
	v0 =	vsub.f32 v60, v61;
	[tilespmem:s31+$0x0] =	vst v58  }
0x1a5: {  	s22 =	sadd.s32 $0x10, s14;
	[tilespmem:s15+$0x0] =	vst v1;
	v1 =	vadd.f32 v62, v63  }
0x1a6: {  	s24 =	sadd.s32 $0x10, s30;
	[tilespmem:s22+$0x0] =	vst v0;
	v0 =	vsub.f32 $0.0e+00, v0  }
0x1a7: {  	s25 =	sadd.s32 $0x10, s31;
	[tilespmem:s24+$0x0] =	vst v1;
	v1 =	vsub.f32 $0.0e+00, v1  }
0x1a8: {  	s26 =	sadd.s32 $0x10, s15;
	[tilespmem:s25+$0x0] =	vst v0  }
0x1a9: {  	s28 =	simm.s32 $0x19C00;
	[tilespmem:s26+$0x0] =	vst v1  }
0x1aa: {  	[spmem:s1] =	stream.indirect.scatter.add.f32 [tilespmem:s28], [sflag:$0x4], $0x1, s18, s6, $0xb8;
	[tilespmem:$0x1E180] =	vst v63  }
0x1ab: {  	s30 =	simm.s32 $0x19E00  }
0x1ac: {  	[spmem:s2] =	stream.indirect.scatter.add.f32 [tilespmem:s30], [sflag:$0x4], $0x1, s18, s6, $0xb8;
	[tilespmem:$0x1E180] =	vst v63  }
0x1ad: {  	s31 =	simm.s32 $0x1A000  }
0x1ae: {  	[spmem:s1] =	stream.indirect.scatter.add.f32 [tilespmem:s31], [sflag:$0x4], $0x1, s8, s6, $0xb8;
	[tilespmem:$0x1E180] =	vst v63  }
0x1af: {  	_ = 	snop  }
0x1b0: {  	[spmem:s2] =	stream.indirect.scatter.add.f32 [tilespmem:s11], [sflag:$0x4], $0x1, s8, s6, $0xb8;
	[tilespmem:$0x1E180] =	vst v63  }
0x1b1: {  	_ =	swait.ge [sflag:s29], $0x200  }
0x1b2: {  	[sflag:s29] =	ssyncset.done $0x0  }
0x1b3: {  	[sflag:s29] =	ssyncadd.s32 $0xFFFFFE00  }
0x1b4: {  	_ =	swait.ge [sflag:s29], $0x200  }
0x1b5: {  	[sflag:s29] =	ssyncset.done $0x0  }
0x1b6: {  	[sflag:s29] =	ssyncadd.s32 $0xFFFFFE00  }
0x1b7: {  	_ =	swait.ge [sflag:s29], $0x200  }
.Ltmp9:
0x1b8: {  	[sflag:s29] =	ssyncset.done $0x0;
	(pc) =	sbr.rel .LBB2_14-.Ltmp9, $4  }
0x1b9: {  	[sflag:s29] =	ssyncadd.s32 $0xFFFFFE00  }
0x1ba: {  	_ =	swait.ge [sflag:s29], $0x200  }
0x1bb: {  	[sflag:s29] =	ssyncset.done $0x0  }
0x1bc: {  	s20 =	rddreg [dreg:$0x12];
	[sflag:s29] =	ssyncadd.s32 $0xFFFFFE00  }
.LBB2_15:
0x1bd: {  	_ =	sfence.sel $0x180000  }
0x1be: {  	[bflag:$0x0] =	sbarrier.arrive $0xFFFF  }
0x1bf: {  	_ =	strace $0x90000047  }
0x1c0: {  	s0 =	stileid.u32;
	[bflag:$0x2] =	sbarrier.arrive $0xFFFF  }
0x1c1: {  	p0 =	sne.s32 s0, $0x0;
	s0 =	rddreg [dreg:$0x3]  }
0x1c2: {  	s0 =	sadd.s32 @!p0 $0x100000, s0  }
0x1c3: {  	[sflag:s0] =	ssyncadd.tile.s32 @!p0 $0x1;
	_ =	shalt  }
.Lfunc_end2:
_tile_overlayer_lowered:
.L_overlay_start_2:
0x1c4: {  	(tag) =	ssettag $0x2  }
0x1c5: {  	s0 =	rddreg [dreg:$0x0];
	s2 =	stileid.u32  }
0x1c6: {  	s1 =	rddreg [dreg:$0x1];
	p0 =	sne.s32 s2, $0x0  }
0x1c7: {  	s3 =	rddreg [dreg:$0x2];
	[bflag:$0x3] =	sbarrier.arrive $0xFFFF;
	s2 =	simm.s32 @!p0 $0x1C06  }
0x1c8: {  	[timem:s3], [sflag:s2] =	dma.local @!p0 [hbm:s0], s1  }
0x1c9: {  	s0 =	simm.s32 @!p0 $0x6  }
0x1ca: {  	_ =	swait.ge @!p0 [sflag:s0], s1  }
0x1cb: {  	s1 =	ssub.s32 @!p0 $0x0, s1;
	[sflag:s0] =	ssyncset.done @!p0 $0x0  }
0x1cc: {  	[sflag:s0] =	ssyncadd.s32 @!p0 s1  }
0x1cd: {  	[bflag:$0x3] =	sbarrier.arrive $0xFFFF  }
0x1ce: {  	_ =	shalt  }

</sc_bundles>
